<compile_context>
chip_gen: v7x
topology: tpu7x:2x2x1
jax: 0.10.2.dev20260603
libtpu: 0.0.44.dev20260713+nightly
codegen_flags: <defaults>
</compile_context>

<pallas_src>
import functools

import jax
import jax.numpy as jnp
from jax import lax
from jax.experimental import pallas as pl
from jax.experimental.pallas import tpu as pltpu, tpu_sc as plsc

EMBED_N = 8192
EMBED_D = 32
TM = 1024
CH = 128
BETA = 0.25


def _transpose_body(e_ref, et_ref):
    et_ref[...] = jnp.swapaxes(e_ref[...], 0, 1)


def _transpose_table(embeds):
    return pl.pallas_call(
        _transpose_body,
        out_shape=jax.ShapeDtypeStruct((EMBED_N, EMBED_D), jnp.float32),
    )(embeds)


def _argmin_body(f_ref, e_ref, idx_ref, ms_ref):
    f = f_ref[0]
    e = e_ref[...]
    sim2 = jnp.dot(f + f, e, preferred_element_type=jnp.float32)
    f2 = jnp.sum(f * f, axis=1, keepdims=True)
    e2 = jnp.sum(e * e, axis=0, keepdims=True)
    n_chunks = EMBED_N // CH
    rm = (f2 + e2[:, 0:CH]) - sim2[:, 0:CH]
    ri = jnp.zeros(rm.shape, jnp.int32)
    for c in range(1, n_chunks):
        d = (f2 + e2[:, c * CH:(c + 1) * CH]) - sim2[:, c * CH:(c + 1) * CH]
        m = d < rm
        rm = jnp.minimum(rm, d)
        ri = jnp.where(m, c, ri)
    minv = jnp.min(rm, axis=1, keepdims=True)
    lane = lax.broadcasted_iota(jnp.int32, rm.shape, 1)
    cand = jnp.where(rm == minv, ri * CH + lane, EMBED_N)
    idx = jnp.min(cand, axis=1).astype(jnp.int32)
    idx_ref[...] = idx.reshape(TM // 512, 4, 128)
    i = pl.program_id(0)
    n = pl.num_programs(0)
    prev = jnp.where(i == 0, jnp.zeros((1, 1), jnp.float32), ms_ref[...])
    total = prev + jnp.sum(minv)
    scale = (1.0 + BETA) / (n * TM * EMBED_D)
    ms_ref[...] = jnp.where(i == n - 1, total * scale, total)


def _compute_indices(x, embeds):
    B = x.shape[0] * x.shape[1]
    grid = B // TM
    per_b = x.shape[1] // TM
    idx3, loss_arr = pl.pallas_call(
        _argmin_body,
        grid=(grid,),
        in_specs=[
            pl.BlockSpec((1, TM, EMBED_D), lambda i: (i // per_b, i % per_b, 0)),
            pl.BlockSpec((EMBED_D, EMBED_N), lambda i: (0, 0)),
        ],
        out_specs=[
            pl.BlockSpec((TM // 512, 4, 128), lambda i: (i, 0, 0)),
            pl.BlockSpec((1, 1), lambda i: (0, 0)),
        ],
        out_shape=[
            jax.ShapeDtypeStruct((B // 512, 4, 128), jnp.int32),
            jax.ShapeDtypeStruct((1, 1), jnp.float32),
        ],
    )(x, embeds)
    return idx3, loss_arr


def _make_sc_gather(out_shape):
    info = plsc.get_sparse_core_info()
    NC, NS, L = info.num_cores, info.num_subcores, info.num_lanes
    NW = NC * NS
    BATCH, SEQ, D = out_shape
    b_per_w = BATCH * SEQ // NW
    seq_per_w = SEQ // b_per_w
    CHUNK = 128
    n_chunks = b_per_w // CHUNK
    mesh = plsc.VectorSubcoreMesh(core_axis_name="c", subcore_axis_name="s")

    @functools.partial(
        pl.kernel,
        mesh=mesh,
        compiler_params=pltpu.CompilerParams(use_tc_tiling_on_sc=False),
        out_type=jax.ShapeDtypeStruct(out_shape, jnp.float32),
        scratch_types=[
            pltpu.VMEM((n_chunks, CHUNK), jnp.int32),
            pltpu.VMEM((b_per_w, D), jnp.float32),
            pltpu.SemaphoreType.DMA,
        ],
    )
    def gather_k(table_hbm, idx_hbm, out_hbm, idx_v, rows_v, sem):
        wid = lax.axis_index("s") * NC + lax.axis_index("c")
        b = wid // seq_per_w
        off = (wid % seq_per_w) * b_per_w
        pltpu.sync_copy(idx_hbm.at[wid], idx_v)
        cps = [
            pltpu.async_copy(
                table_hbm.at[idx_v.at[j]],
                rows_v.at[pl.ds(j * CHUNK, CHUNK)],
                sem,
            )
            for j in range(n_chunks)
        ]
        for c in cps:
            c.wait()
        pltpu.sync_copy(rows_v, out_hbm.at[b, pl.ds(off, b_per_w)])

    return gather_k


_sc_gather = None


def kernel(x, embeds):
    global _sc_gather
    table = _transpose_table(embeds)
    idx3, loss_arr = _compute_indices(x, embeds)
    if _sc_gather is None:
        _sc_gather = _make_sc_gather(x.shape)
    quantized = _sc_gather(table, idx3)
    return quantized, loss_arr[0, 0]

# --- scband reference (transcript-rebuilt; emitter-appended) ---
"""Pipeline reference for scband-vq-37898791420621 (READ-ONLY COPY).

The authoritative reference and input builder live on the scoring server;
editing this copy changes nothing except your own understanding.
"""

import jax, jax.numpy as jnp
import numpy as np

EMBED_N = 8192
EMBED_D = 32
BETA = 0.25


def setup_inputs(seed: int = 0) -> dict:
    key = jax.random.key(seed)
    k1, k2 = jax.random.split(key)
    x = jax.random.normal(k1, (16, 1024, EMBED_D), dtype=jnp.float32)
    # Keras layer stores embeds with shape (embed_d, embed_n)
    embeds = jax.random.uniform(k2, (EMBED_D, EMBED_N), dtype=jnp.float32, minval=-0.05, maxval=0.05)
    return {"x": x, "embeds": embeds}


def reference(x, embeds):
    shape = x.shape
    flattened = x.reshape(-1, embeds.shape[0])
    # get_code_indices
    similarity = flattened @ embeds
    dists = (
        jnp.sum(flattened ** 2, axis=1, keepdims=True)
        + jnp.sum(embeds ** 2, axis=0)
        - 2.0 * similarity
    )
    encoding_indices = jnp.argmin(dists, axis=1)
    encodings = jax.nn.one_hot(encoding_indices, embeds.shape[1], dtype=flattened.dtype)
    quantized = encodings @ embeds.T
    quantized = quantized.reshape(shape)
    c_loss = jnp.mean((jax.lax.stop_gradient(quantized) - x) ** 2)
    cb_loss = jnp.mean((quantized - jax.lax.stop_gradient(x)) ** 2)
    loss = BETA * c_loss + cb_loss
    quantized_st = x + jax.lax.stop_gradient(quantized - x)
    return quantized_st, loss

if __name__ == "__main__":
    import jax
    _d = setup_inputs()
    print(jax.jit(kernel)(*tuple(_d.values())))

</pallas_src>

<mosaic_0001>
#map = affine_map<(d0, d1) -> (0, 0)>
#map1 = affine_map<(d0, d1) -> (0, 0, 0)>
module attributes {stable_mosaic.version = 14 : i64} {
  func.func @gather_k(%arg0: i32, %arg1: i32, %arg2: memref<8192x32xf32, #tpu.memory_space<hbm>>, %arg3: memref<32x4x128xi32, #tpu.memory_space<hbm>>, %arg4: memref<16x1024x32xf32, #tpu.memory_space<hbm>>, %arg5: memref<4x128xi32, #tpu.memory_space<vmem>>, %arg6: memref<512x32xf32, #tpu.memory_space<vmem>>, %arg7: memref<!tpu.dma_semaphore, #tpu.memory_space<semaphore_mem>>) attributes {dimension_semantics = [#tpu.dimension_semantics<core_parallel>, #tpu.dimension_semantics<subcore_parallel>], iteration_bounds = array<i64: 2, 16>, scalar_prefetch = 0 : i64, scratch_operands = 3 : i64, tpu.core_type = #tpu.core_type<sc_vector_subcore>, window_params = [{transform_indices = #map}, {transform_indices = #map1}, {transform_indices = #map1}]} {
    %mul3A = arith.constant 2 : i32
    %mul3A_0 = arith.muli %arg1, %mul3A : i32
    %add3A = arith.addi %mul3A_0, %arg0 : i32
    %jit3A = arith.constant 2 : i32
    %div3A = arith.divsi %add3A, %jit3A : i32
    %sign3A = arith.constant 0 : i32
    %sign3A_1 = arith.cmpi sgt, %add3A, %sign3A : i32
    %sign3A_2 = arith.extui %sign3A_1 : i1 to i32
    %sign3A_3 = arith.constant 0 : i32
    %sign3A_4 = arith.cmpi slt, %add3A, %sign3A_3 : i32
    %sign3A_5 = arith.extui %sign3A_4 : i1 to i32
    %sign3A_6 = arith.subi %sign3A_2, %sign3A_5 : i32
    %sign3A_7 = arith.constant 0 : i32
    %sign3A_8 = arith.cmpi sgt, %jit3A, %sign3A_7 : i32
    %sign3A_9 = arith.extui %sign3A_8 : i1 to i32
    %sign3A_10 = arith.constant 0 : i32
    %sign3A_11 = arith.cmpi slt, %jit3A, %sign3A_10 : i32
    %sign3A_12 = arith.extui %sign3A_11 : i1 to i32
    %sign3A_13 = arith.subi %sign3A_9, %sign3A_12 : i32
    %ne3A = arith.cmpi ne, %sign3A_6, %sign3A_13 : i32
    %rem3A = arith.remsi %add3A, %jit3A : i32
    %ne3A_14 = arith.constant 0 : i32
    %ne3A_15 = arith.cmpi ne, %rem3A, %ne3A_14 : i32
    %and3A = arith.andi %ne3A, %ne3A_15 : i1
    %sub3A = arith.constant 1 : i32
    %sub3A_16 = arith.subi %div3A, %sub3A : i32
    %select_n3A = arith.select %and3A, %sub3A_16, %div3A : i32
    %jit3A_17 = arith.constant 2 : i32
    %eq3A = arith.constant 0 : i32
    %eq3A_18 = arith.cmpi eq, %jit3A_17, %eq3A : i32
    %jit3A_19 = arith.constant 1 : i32
    %select_n3A_20 = arith.select %eq3A_18, %jit3A_19, %jit3A_17 : i32
    %rem3A_21 = arith.remsi %add3A, %select_n3A_20 : i32
    %ne3A_22 = arith.constant 0 : i32
    %ne3A_23 = arith.cmpi ne, %rem3A_21, %ne3A_22 : i32
    %lt3A = arith.constant 0 : i32
    %lt3A_24 = arith.cmpi slt, %rem3A_21, %lt3A : i32
    %lt3A_25 = arith.constant 0 : i32
    %lt3A_26 = arith.cmpi slt, %select_n3A_20, %lt3A_25 : i32
    %ne3A_27 = arith.xori %lt3A_24, %lt3A_26 : i1
    %and3A_28 = arith.andi %ne3A_27, %ne3A_23 : i1
    %add3A_29 = arith.addi %rem3A_21, %select_n3A_20 : i32
    %select_n3A_30 = arith.select %and3A_28, %add3A_29, %rem3A_21 : i32
    %mul3A_31 = arith.constant 512 : i32
    %mul3A_32 = arith.muli %select_n3A_30, %mul3A_31 : i32
    "tpu.region"() ({
      %run_scoped3A = tpu.sem_alloc : memref<!tpu.dma_semaphore, #tpu.memory_space<semaphore_mem>>
      %dma_start3A_111 = arith.constant 0 : i32
      %dma_start3A_112 = arith.constant 0 : i32
      %dma_start3A_113 = tpu.memref_slice %arg3[%add3A, %dma_start3A_111, %dma_start3A_112] : memref<32x4x128xi32, #tpu.memory_space<hbm>> -> memref<1x4x128xi32, #tpu.memory_space<hbm>>
      %dma_start3A_114 = tpu.memref_squeeze %dma_start3A_113 : memref<1x4x128xi32, #tpu.memory_space<hbm>> -> memref<4x128xi32, #tpu.memory_space<hbm>>
      %dma_start3A_115 = arith.constant 0 : i32
      %dma_start3A_116 = arith.constant 0 : i32
      %dma_start3A_117 = tpu.memref_slice %arg3[%add3A, %dma_start3A_115, %dma_start3A_116] : memref<32x4x128xi32, #tpu.memory_space<hbm>> -> memref<1x4x128xi32, #tpu.memory_space<hbm>>
      %dma_start3A_118 = tpu.memref_squeeze %dma_start3A_117 : memref<1x4x128xi32, #tpu.memory_space<hbm>> -> memref<4x128xi32, #tpu.memory_space<hbm>>
      tpu.enqueue_dma source(%dma_start3A_118 : memref<4x128xi32, #tpu.memory_space<hbm>>) target(%arg5 : memref<4x128xi32, #tpu.memory_space<vmem>>) target_semaphore(%run_scoped3A : memref<!tpu.dma_semaphore, #tpu.memory_space<semaphore_mem>>)
      %dma_wait3A_119 = arith.constant 0 : i32
      %dma_wait3A_120 = arith.constant 0 : i32
      %dma_wait3A_121 = tpu.memref_slice %arg3[%add3A, %dma_wait3A_119, %dma_wait3A_120] : memref<32x4x128xi32, #tpu.memory_space<hbm>> -> memref<1x4x128xi32, #tpu.memory_space<hbm>>
      %dma_wait3A_122 = tpu.memref_squeeze %dma_wait3A_121 : memref<1x4x128xi32, #tpu.memory_space<hbm>> -> memref<4x128xi32, #tpu.memory_space<hbm>>
      %dma_wait3A_123 = arith.constant 0 : i32
      %dma_wait3A_124 = arith.constant 0 : i32
      %dma_wait3A_125 = tpu.memref_slice %arg3[%add3A, %dma_wait3A_123, %dma_wait3A_124] : memref<32x4x128xi32, #tpu.memory_space<hbm>> -> memref<1x4x128xi32, #tpu.memory_space<hbm>>
      %dma_wait3A_126 = tpu.memref_squeeze %dma_wait3A_125 : memref<1x4x128xi32, #tpu.memory_space<hbm>> -> memref<4x128xi32, #tpu.memory_space<hbm>>
      tpu.wait_dma2 semaphore(%run_scoped3A : memref<!tpu.dma_semaphore, #tpu.memory_space<semaphore_mem>>) src(%dma_wait3A_126 : memref<4x128xi32, #tpu.memory_space<hbm>>) dst(%arg5 : memref<4x128xi32, #tpu.memory_space<vmem>>)
      tpu.yield
    }) : () -> ()
    %dma_start3A = arith.constant 0 : i32
    %dma_start3A_33 = arith.constant 0 : i32
    %dma_start3A_34 = arith.constant 0 : i32
    %dma_start3A_35 = tpu.memref_slice %arg6[%dma_start3A_33, %dma_start3A_34] : memref<512x32xf32, #tpu.memory_space<vmem>> -> memref<128x32xf32, #tpu.memory_space<vmem>>
    %dma_start3A_36 = arith.constant 0 : i32
    %dma_start3A_37 = tpu.memref_slice %arg5[%dma_start3A, %dma_start3A_36] : memref<4x128xi32, #tpu.memory_space<vmem>> -> memref<1x128xi32, #tpu.memory_space<vmem>>
    %dma_start3A_38 = tpu.memref_squeeze %dma_start3A_37 : memref<1x128xi32, #tpu.memory_space<vmem>> -> memref<128xi32, #tpu.memory_space<vmem>>
    %dma_start3A_39 = arith.constant 0 : i32
    %dma_start3A_40 = arith.constant 0 : i32
    %dma_start3A_41 = tpu.memref_slice %arg2[%dma_start3A_39, %dma_start3A_40] : memref<8192x32xf32, #tpu.memory_space<hbm>> -> memref<8192x32xf32, #tpu.memory_space<hbm>>
    tpu.enqueue_indirect_dma source(%dma_start3A_41 : memref<8192x32xf32, #tpu.memory_space<hbm>>) target(%dma_start3A_35 : memref<128x32xf32, #tpu.memory_space<vmem>>) offsets(%dma_start3A_38 : memref<128xi32, #tpu.memory_space<vmem>>) semaphore(%arg7 : memref<!tpu.dma_semaphore, #tpu.memory_space<semaphore_mem>>)
    %dma_start3A_42 = arith.constant 1 : i32
    %dma_start3A_43 = arith.constant 128 : i32
    %dma_start3A_44 = arith.constant 0 : i32
    %dma_start3A_45 = tpu.memref_slice %arg6[%dma_start3A_43, %dma_start3A_44] : memref<512x32xf32, #tpu.memory_space<vmem>> -> memref<128x32xf32, #tpu.memory_space<vmem>>
    %dma_start3A_46 = arith.constant 0 : i32
    %dma_start3A_47 = tpu.memref_slice %arg5[%dma_start3A_42, %dma_start3A_46] : memref<4x128xi32, #tpu.memory_space<vmem>> -> memref<1x128xi32, #tpu.memory_space<vmem>>
    %dma_start3A_48 = tpu.memref_squeeze %dma_start3A_47 : memref<1x128xi32, #tpu.memory_space<vmem>> -> memref<128xi32, #tpu.memory_space<vmem>>
    %dma_start3A_49 = arith.constant 0 : i32
    %dma_start3A_50 = arith.constant 0 : i32
    %dma_start3A_51 = tpu.memref_slice %arg2[%dma_start3A_49, %dma_start3A_50] : memref<8192x32xf32, #tpu.memory_space<hbm>> -> memref<8192x32xf32, #tpu.memory_space<hbm>>
    tpu.enqueue_indirect_dma source(%dma_start3A_51 : memref<8192x32xf32, #tpu.memory_space<hbm>>) target(%dma_start3A_45 : memref<128x32xf32, #tpu.memory_space<vmem>>) offsets(%dma_start3A_48 : memref<128xi32, #tpu.memory_space<vmem>>) semaphore(%arg7 : memref<!tpu.dma_semaphore, #tpu.memory_space<semaphore_mem>>)
    %dma_start3A_52 = arith.constant 2 : i32
    %dma_start3A_53 = arith.constant 256 : i32
    %dma_start3A_54 = arith.constant 0 : i32
    %dma_start3A_55 = tpu.memref_slice %arg6[%dma_start3A_53, %dma_start3A_54] : memref<512x32xf32, #tpu.memory_space<vmem>> -> memref<128x32xf32, #tpu.memory_space<vmem>>
    %dma_start3A_56 = arith.constant 0 : i32
    %dma_start3A_57 = tpu.memref_slice %arg5[%dma_start3A_52, %dma_start3A_56] : memref<4x128xi32, #tpu.memory_space<vmem>> -> memref<1x128xi32, #tpu.memory_space<vmem>>
    %dma_start3A_58 = tpu.memref_squeeze %dma_start3A_57 : memref<1x128xi32, #tpu.memory_space<vmem>> -> memref<128xi32, #tpu.memory_space<vmem>>
    %dma_start3A_59 = arith.constant 0 : i32
    %dma_start3A_60 = arith.constant 0 : i32
    %dma_start3A_61 = tpu.memref_slice %arg2[%dma_start3A_59, %dma_start3A_60] : memref<8192x32xf32, #tpu.memory_space<hbm>> -> memref<8192x32xf32, #tpu.memory_space<hbm>>
    tpu.enqueue_indirect_dma source(%dma_start3A_61 : memref<8192x32xf32, #tpu.memory_space<hbm>>) target(%dma_start3A_55 : memref<128x32xf32, #tpu.memory_space<vmem>>) offsets(%dma_start3A_58 : memref<128xi32, #tpu.memory_space<vmem>>) semaphore(%arg7 : memref<!tpu.dma_semaphore, #tpu.memory_space<semaphore_mem>>)
    %dma_start3A_62 = arith.constant 3 : i32
    %dma_start3A_63 = arith.constant 384 : i32
    %dma_start3A_64 = arith.constant 0 : i32
    %dma_start3A_65 = tpu.memref_slice %arg6[%dma_start3A_63, %dma_start3A_64] : memref<512x32xf32, #tpu.memory_space<vmem>> -> memref<128x32xf32, #tpu.memory_space<vmem>>
    %dma_start3A_66 = arith.constant 0 : i32
    %dma_start3A_67 = tpu.memref_slice %arg5[%dma_start3A_62, %dma_start3A_66] : memref<4x128xi32, #tpu.memory_space<vmem>> -> memref<1x128xi32, #tpu.memory_space<vmem>>
    %dma_start3A_68 = tpu.memref_squeeze %dma_start3A_67 : memref<1x128xi32, #tpu.memory_space<vmem>> -> memref<128xi32, #tpu.memory_space<vmem>>
    %dma_start3A_69 = arith.constant 0 : i32
    %dma_start3A_70 = arith.constant 0 : i32
    %dma_start3A_71 = tpu.memref_slice %arg2[%dma_start3A_69, %dma_start3A_70] : memref<8192x32xf32, #tpu.memory_space<hbm>> -> memref<8192x32xf32, #tpu.memory_space<hbm>>
    tpu.enqueue_indirect_dma source(%dma_start3A_71 : memref<8192x32xf32, #tpu.memory_space<hbm>>) target(%dma_start3A_65 : memref<128x32xf32, #tpu.memory_space<vmem>>) offsets(%dma_start3A_68 : memref<128xi32, #tpu.memory_space<vmem>>) semaphore(%arg7 : memref<!tpu.dma_semaphore, #tpu.memory_space<semaphore_mem>>)
    %dma_wait3A = arith.constant 0 : i32
    %dma_wait3A_72 = arith.constant 0 : i32
    %dma_wait3A_73 = arith.constant 0 : i32
    %dma_wait3A_74 = tpu.memref_slice %arg6[%dma_wait3A_72, %dma_wait3A_73] : memref<512x32xf32, #tpu.memory_space<vmem>> -> memref<128x32xf32, #tpu.memory_space<vmem>>
    %dma_wait3A_75 = arith.constant 0 : i32
    %dma_wait3A_76 = tpu.memref_slice %arg5[%dma_wait3A, %dma_wait3A_75] : memref<4x128xi32, #tpu.memory_space<vmem>> -> memref<1x128xi32, #tpu.memory_space<vmem>>
    %dma_wait3A_77 = tpu.memref_squeeze %dma_wait3A_76 : memref<1x128xi32, #tpu.memory_space<vmem>> -> memref<128xi32, #tpu.memory_space<vmem>>
    %dma_wait3A_78 = arith.constant 0 : i32
    %dma_wait3A_79 = arith.constant 0 : i32
    %dma_wait3A_80 = tpu.memref_slice %arg2[%dma_wait3A_78, %dma_wait3A_79] : memref<8192x32xf32, #tpu.memory_space<hbm>> -> memref<8192x32xf32, #tpu.memory_space<hbm>>
    tpu.wait_indirect_dma semaphore(%arg7 : memref<!tpu.dma_semaphore, #tpu.memory_space<semaphore_mem>>) src(%dma_wait3A_80 : memref<8192x32xf32, #tpu.memory_space<hbm>>) dst(%dma_wait3A_74 : memref<128x32xf32, #tpu.memory_space<vmem>>)
    %dma_wait3A_81 = arith.constant 1 : i32
    %dma_wait3A_82 = arith.constant 128 : i32
    %dma_wait3A_83 = arith.constant 0 : i32
    %dma_wait3A_84 = tpu.memref_slice %arg6[%dma_wait3A_82, %dma_wait3A_83] : memref<512x32xf32, #tpu.memory_space<vmem>> -> memref<128x32xf32, #tpu.memory_space<vmem>>
    %dma_wait3A_85 = arith.constant 0 : i32
    %dma_wait3A_86 = tpu.memref_slice %arg5[%dma_wait3A_81, %dma_wait3A_85] : memref<4x128xi32, #tpu.memory_space<vmem>> -> memref<1x128xi32, #tpu.memory_space<vmem>>
    %dma_wait3A_87 = tpu.memref_squeeze %dma_wait3A_86 : memref<1x128xi32, #tpu.memory_space<vmem>> -> memref<128xi32, #tpu.memory_space<vmem>>
    %dma_wait3A_88 = arith.constant 0 : i32
    %dma_wait3A_89 = arith.constant 0 : i32
    %dma_wait3A_90 = tpu.memref_slice %arg2[%dma_wait3A_88, %dma_wait3A_89] : memref<8192x32xf32, #tpu.memory_space<hbm>> -> memref<8192x32xf32, #tpu.memory_space<hbm>>
    tpu.wait_indirect_dma semaphore(%arg7 : memref<!tpu.dma_semaphore, #tpu.memory_space<semaphore_mem>>) src(%dma_wait3A_90 : memref<8192x32xf32, #tpu.memory_space<hbm>>) dst(%dma_wait3A_84 : memref<128x32xf32, #tpu.memory_space<vmem>>)
    %dma_wait3A_91 = arith.constant 2 : i32
    %dma_wait3A_92 = arith.constant 256 : i32
    %dma_wait3A_93 = arith.constant 0 : i32
    %dma_wait3A_94 = tpu.memref_slice %arg6[%dma_wait3A_92, %dma_wait3A_93] : memref<512x32xf32, #tpu.memory_space<vmem>> -> memref<128x32xf32, #tpu.memory_space<vmem>>
    %dma_wait3A_95 = arith.constant 0 : i32
    %dma_wait3A_96 = tpu.memref_slice %arg5[%dma_wait3A_91, %dma_wait3A_95] : memref<4x128xi32, #tpu.memory_space<vmem>> -> memref<1x128xi32, #tpu.memory_space<vmem>>
    %dma_wait3A_97 = tpu.memref_squeeze %dma_wait3A_96 : memref<1x128xi32, #tpu.memory_space<vmem>> -> memref<128xi32, #tpu.memory_space<vmem>>
    %dma_wait3A_98 = arith.constant 0 : i32
    %dma_wait3A_99 = arith.constant 0 : i32
    %dma_wait3A_100 = tpu.memref_slice %arg2[%dma_wait3A_98, %dma_wait3A_99] : memref<8192x32xf32, #tpu.memory_space<hbm>> -> memref<8192x32xf32, #tpu.memory_space<hbm>>
    tpu.wait_indirect_dma semaphore(%arg7 : memref<!tpu.dma_semaphore, #tpu.memory_space<semaphore_mem>>) src(%dma_wait3A_100 : memref<8192x32xf32, #tpu.memory_space<hbm>>) dst(%dma_wait3A_94 : memref<128x32xf32, #tpu.memory_space<vmem>>)
    %dma_wait3A_101 = arith.constant 3 : i32
    %dma_wait3A_102 = arith.constant 384 : i32
    %dma_wait3A_103 = arith.constant 0 : i32
    %dma_wait3A_104 = tpu.memref_slice %arg6[%dma_wait3A_102, %dma_wait3A_103] : memref<512x32xf32, #tpu.memory_space<vmem>> -> memref<128x32xf32, #tpu.memory_space<vmem>>
    %dma_wait3A_105 = arith.constant 0 : i32
    %dma_wait3A_106 = tpu.memref_slice %arg5[%dma_wait3A_101, %dma_wait3A_105] : memref<4x128xi32, #tpu.memory_space<vmem>> -> memref<1x128xi32, #tpu.memory_space<vmem>>
    %dma_wait3A_107 = tpu.memref_squeeze %dma_wait3A_106 : memref<1x128xi32, #tpu.memory_space<vmem>> -> memref<128xi32, #tpu.memory_space<vmem>>
    %dma_wait3A_108 = arith.constant 0 : i32
    %dma_wait3A_109 = arith.constant 0 : i32
    %dma_wait3A_110 = tpu.memref_slice %arg2[%dma_wait3A_108, %dma_wait3A_109] : memref<8192x32xf32, #tpu.memory_space<hbm>> -> memref<8192x32xf32, #tpu.memory_space<hbm>>
    tpu.wait_indirect_dma semaphore(%arg7 : memref<!tpu.dma_semaphore, #tpu.memory_space<semaphore_mem>>) src(%dma_wait3A_110 : memref<8192x32xf32, #tpu.memory_space<hbm>>) dst(%dma_wait3A_104 : memref<128x32xf32, #tpu.memory_space<vmem>>)
    "tpu.region"() ({
      %run_scoped3A = tpu.sem_alloc : memref<!tpu.dma_semaphore, #tpu.memory_space<semaphore_mem>>
      %dma_start3A_111 = arith.constant 0 : i32
      %dma_start3A_112 = tpu.memref_slice %arg4[%select_n3A, %mul3A_32, %dma_start3A_111] : memref<16x1024x32xf32, #tpu.memory_space<hbm>> -> memref<1x512x32xf32, #tpu.memory_space<hbm>>
      %dma_start3A_113 = tpu.memref_squeeze %dma_start3A_112 : memref<1x512x32xf32, #tpu.memory_space<hbm>> -> memref<512x32xf32, #tpu.memory_space<hbm>>
      %dma_start3A_114 = arith.constant 0 : i32
      %dma_start3A_115 = tpu.memref_slice %arg4[%select_n3A, %mul3A_32, %dma_start3A_114] : memref<16x1024x32xf32, #tpu.memory_space<hbm>> -> memref<1x512x32xf32, #tpu.memory_space<hbm>>
      %dma_start3A_116 = tpu.memref_squeeze %dma_start3A_115 : memref<1x512x32xf32, #tpu.memory_space<hbm>> -> memref<512x32xf32, #tpu.memory_space<hbm>>
      tpu.enqueue_dma source(%arg6 : memref<512x32xf32, #tpu.memory_space<vmem>>) target(%dma_start3A_116 : memref<512x32xf32, #tpu.memory_space<hbm>>) target_semaphore(%run_scoped3A : memref<!tpu.dma_semaphore, #tpu.memory_space<semaphore_mem>>)
      %dma_wait3A_117 = arith.constant 0 : i32
      %dma_wait3A_118 = tpu.memref_slice %arg4[%select_n3A, %mul3A_32, %dma_wait3A_117] : memref<16x1024x32xf32, #tpu.memory_space<hbm>> -> memref<1x512x32xf32, #tpu.memory_space<hbm>>
      %dma_wait3A_119 = tpu.memref_squeeze %dma_wait3A_118 : memref<1x512x32xf32, #tpu.memory_space<hbm>> -> memref<512x32xf32, #tpu.memory_space<hbm>>
      %dma_wait3A_120 = arith.constant 0 : i32
      %dma_wait3A_121 = tpu.memref_slice %arg4[%select_n3A, %mul3A_32, %dma_wait3A_120] : memref<16x1024x32xf32, #tpu.memory_space<hbm>> -> memref<1x512x32xf32, #tpu.memory_space<hbm>>
      %dma_wait3A_122 = tpu.memref_squeeze %dma_wait3A_121 : memref<1x512x32xf32, #tpu.memory_space<hbm>> -> memref<512x32xf32, #tpu.memory_space<hbm>>
      tpu.wait_dma2 semaphore(%run_scoped3A : memref<!tpu.dma_semaphore, #tpu.memory_space<semaphore_mem>>) src(%arg6 : memref<512x32xf32, #tpu.memory_space<vmem>>) dst(%dma_wait3A_122 : memref<512x32xf32, #tpu.memory_space<hbm>>)
      tpu.yield
    }) : () -> ()
    return
  }
}

module attributes {stable_mosaic.version = 14 : i64} {
  func.func @_transpose_body(%arg0: memref<32x8192xf32, #tpu.memory_space<vmem>>, %arg1: memref<8192x32xf32, #tpu.memory_space<vmem>>) attributes {dimension_semantics = [], scalar_prefetch = 0 : i64, scratch_operands = 0 : i64, tpu.core_type = #tpu.core_type<tc>} {
    %get3A = arith.constant 0 : index
    %get3A_0 = arith.constant 0 : index
    %get3A_1 = vector.load %arg0[%get3A, %get3A_0] : memref<32x8192xf32, #tpu.memory_space<vmem>>, vector<32x8192xf32>
    %transpose3A = tpu.transpose %get3A_1, [1, 0] : vector<32x8192xf32> -> vector<8192x32xf32>
    %swap3A = arith.constant 0 : index
    %swap3A_2 = arith.constant 0 : index
    %swap3A_3 = vector.load %arg1[%swap3A, %swap3A_2] : memref<8192x32xf32, #tpu.memory_space<vmem>>, vector<8192x32xf32>
    tpu.vector_store %arg1[%swap3A, %swap3A_2], %transpose3A {strides = array<i32>} : memref<8192x32xf32, #tpu.memory_space<vmem>>, vector<8192x32xf32>,
    return
  }
}

module attributes {stable_mosaic.version = 14 : i64} {
  func.func @_argmin_body(%arg0: i32, %arg1: memref<1x1024x32xf32, #tpu.memory_space<vmem>>, %arg2: memref<32x8192xf32, #tpu.memory_space<vmem>>, %arg3: memref<2x4x128xi32, #tpu.memory_space<vmem>>, %arg4: memref<1x1xf32, #tpu.memory_space<vmem>>) attributes {dimension_semantics = [#tpu.dimension_semantics<arbitrary>], iteration_bounds = array<i64: 16>, scalar_prefetch = 0 : i64, scratch_operands = 0 : i64, tpu.core_type = #tpu.core_type<tc>, window_params = [{transform_indices = @transform_0, window_bounds = array<i64: 1, 1024, 32>}, {pipeline_mode = #tpu.pipeline_mode<synchronous>, transform_indices = @transform_1, window_bounds = array<i64: 32, 8192>}, {transform_indices = @transform_2, window_bounds = array<i64: 2, 4, 128>}, {pipeline_mode = #tpu.pipeline_mode<synchronous>, transform_indices = @transform_3, window_bounds = array<i64: 1, 1>}]} {
    %get3A = arith.constant 0 : index
    %get3A_0 = arith.constant 0 : index
    %get3A_1 = arith.constant 0 : index
    %get3A_2 = vector.load %arg1[%get3A, %get3A_0, %get3A_1] : memref<1x1024x32xf32, #tpu.memory_space<vmem>>, vector<1x1024x32xf32>
    %get3A_3 = vector.shape_cast %get3A_2 : vector<1x1024x32xf32> to vector<1024x32xf32>
    %get3A_4 = arith.constant 0 : index
    %get3A_5 = arith.constant 0 : index
    %get3A_6 = vector.load %arg2[%get3A_4, %get3A_5] : memref<32x8192xf32, #tpu.memory_space<vmem>>, vector<32x8192xf32>
    %add3A = arith.addf %get3A_3, %get3A_3 : vector<1024x32xf32>
    %dot_general3A = arith.constant dense<0.000000e+00> : vector<1024x8192xf32>
    %dot_general3A_7 = tpu.matmul %add3A, %get3A_6, %dot_general3A {dimension_numbers = #tpu.dot_dimension_numbers<[1], [0], [0], [1], [0, 0, 1, 1], [], []>, transpose_lhs_hint = false} : vector<1024x32xf32>, vector<32x8192xf32>, vector<1024x8192xf32> -> vector<1024x8192xf32>
    %mul3A = arith.mulf %get3A_3, %get3A_3 : vector<1024x32xf32>
    %reduce_sum3A = arith.constant dense<0.000000e+00> : vector<1024xf32>
    %reduce_sum3A_8 = vector.multi_reduction <add>, %mul3A, %reduce_sum3A [1] : vector<1024x32xf32> to vector<1024xf32>
    %broadcast_in_dim3A = vector.shape_cast %reduce_sum3A_8 : vector<1024xf32> to vector<1024x1xf32>
    %mul3A_9 = arith.mulf %get3A_6, %get3A_6 : vector<32x8192xf32>
    %reduce_sum3A_10 = arith.constant dense<0.000000e+00> : vector<8192xf32>
    %reduce_sum3A_11 = vector.multi_reduction <add>, %mul3A_9, %reduce_sum3A_10 [0] : vector<32x8192xf32> to vector<8192xf32>
    %broadcast_in_dim3A_12 = vector.shape_cast %reduce_sum3A_11 : vector<8192xf32> to vector<1x8192xf32>
    %slice3A = vector.extract_strided_slice %broadcast_in_dim3A_12 {offsets = [0, 0], sizes = [1, 128], strides = [1, 1]} : vector<1x8192xf32> to vector<1x128xf32>
    %add3A_13 = vector.broadcast %broadcast_in_dim3A : vector<1024x1xf32> to vector<1024x128xf32>
    %add3A_14 = vector.broadcast %slice3A : vector<1x128xf32> to vector<1024x128xf32>
    %add3A_15 = arith.addf %add3A_13, %add3A_14 : vector<1024x128xf32>
    %slice3A_16 = vector.extract_strided_slice %dot_general3A_7 {offsets = [0, 0], sizes = [1024, 128], strides = [1, 1]} : vector<1024x8192xf32> to vector<1024x128xf32>
    %sub3A = arith.subf %add3A_15, %slice3A_16 : vector<1024x128xf32>
    %broadcast_in_dim3A_17 = arith.constant 0 : i32
    %broadcast_in_dim3A_18 = vector.broadcast %broadcast_in_dim3A_17 : i32 to vector<1024x128xi32>
    %slice3A_19 = vector.extract_strided_slice %broadcast_in_dim3A_12 {offsets = [0, 128], sizes = [1, 128], strides = [1, 1]} : vector<1x8192xf32> to vector<1x128xf32>
    %add3A_20 = vector.broadcast %broadcast_in_dim3A : vector<1024x1xf32> to vector<1024x128xf32>
    %add3A_21 = vector.broadcast %slice3A_19 : vector<1x128xf32> to vector<1024x128xf32>
    %add3A_22 = arith.addf %add3A_20, %add3A_21 : vector<1024x128xf32>
    %slice3A_23 = vector.extract_strided_slice %dot_general3A_7 {offsets = [0, 128], sizes = [1024, 128], strides = [1, 1]} : vector<1024x8192xf32> to vector<1024x128xf32>
    %sub3A_24 = arith.subf %add3A_22, %slice3A_23 : vector<1024x128xf32>
    %lt3A = arith.cmpf olt, %sub3A_24, %sub3A : vector<1024x128xf32>
    %min3A = arith.minimumf %sub3A, %sub3A_24 : vector<1024x128xf32>
    %jit3A = arith.constant 1 : i32
    %broadcast_in_dim3A_25 = vector.broadcast %jit3A : i32 to vector<1024x128xi32>
    %select_n3A = arith.select %lt3A, %broadcast_in_dim3A_25, %broadcast_in_dim3A_18 : vector<1024x128xi1>, vector<1024x128xi32>
    %slice3A_26 = vector.extract_strided_slice %broadcast_in_dim3A_12 {offsets = [0, 256], sizes = [1, 128], strides = [1, 1]} : vector<1x8192xf32> to vector<1x128xf32>
    %add3A_27 = vector.broadcast %broadcast_in_dim3A : vector<1024x1xf32> to vector<1024x128xf32>
    %add3A_28 = vector.broadcast %slice3A_26 : vector<1x128xf32> to vector<1024x128xf32>
    %add3A_29 = arith.addf %add3A_27, %add3A_28 : vector<1024x128xf32>
    %slice3A_30 = vector.extract_strided_slice %dot_general3A_7 {offsets = [0, 256], sizes = [1024, 128], strides = [1, 1]} : vector<1024x8192xf32> to vector<1024x128xf32>
    %sub3A_31 = arith.subf %add3A_29, %slice3A_30 : vector<1024x128xf32>
    %lt3A_32 = arith.cmpf olt, %sub3A_31, %min3A : vector<1024x128xf32>
    %min3A_33 = arith.minimumf %min3A, %sub3A_31 : vector<1024x128xf32>
    %jit3A_34 = arith.constant 2 : i32
    %broadcast_in_dim3A_35 = vector.broadcast %jit3A_34 : i32 to vector<1024x128xi32>
    %select_n3A_36 = arith.select %lt3A_32, %broadcast_in_dim3A_35, %select_n3A : vector<1024x128xi1>, vector<1024x128xi32>
    %slice3A_37 = vector.extract_strided_slice %broadcast_in_dim3A_12 {offsets = [0, 384], sizes = [1, 128], strides = [1, 1]} : vector<1x8192xf32> to vector<1x128xf32>
    %add3A_38 = vector.broadcast %broadcast_in_dim3A : vector<1024x1xf32> to vector<1024x128xf32>
    %add3A_39 = vector.broadcast %slice3A_37 : vector<1x128xf32> to vector<1024x128xf32>
    %add3A_40 = arith.addf %add3A_38, %add3A_39 : vector<1024x128xf32>
    %slice3A_41 = vector.extract_strided_slice %dot_general3A_7 {offsets = [0, 384], sizes = [1024, 128], strides = [1, 1]} : vector<1024x8192xf32> to vector<1024x128xf32>
    %sub3A_42 = arith.subf %add3A_40, %slice3A_41 : vector<1024x128xf32>
    %lt3A_43 = arith.cmpf olt, %sub3A_42, %min3A_33 : vector<1024x128xf32>
    %min3A_44 = arith.minimumf %min3A_33, %sub3A_42 : vector<1024x128xf32>
    %jit3A_45 = arith.constant 3 : i32
    %broadcast_in_dim3A_46 = vector.broadcast %jit3A_45 : i32 to vector<1024x128xi32>
    %select_n3A_47 = arith.select %lt3A_43, %broadcast_in_dim3A_46, %select_n3A_36 : vector<1024x128xi1>, vector<1024x128xi32>
    %slice3A_48 = vector.extract_strided_slice %broadcast_in_dim3A_12 {offsets = [0, 512], sizes = [1, 128], strides = [1, 1]} : vector<1x8192xf32> to vector<1x128xf32>
    %add3A_49 = vector.broadcast %broadcast_in_dim3A : vector<1024x1xf32> to vector<1024x128xf32>
    %add3A_50 = vector.broadcast %slice3A_48 : vector<1x128xf32> to vector<1024x128xf32>
    %add3A_51 = arith.addf %add3A_49, %add3A_50 : vector<1024x128xf32>
    %slice3A_52 = vector.extract_strided_slice %dot_general3A_7 {offsets = [0, 512], sizes = [1024, 128], strides = [1, 1]} : vector<1024x8192xf32> to vector<1024x128xf32>
    %sub3A_53 = arith.subf %add3A_51, %slice3A_52 : vector<1024x128xf32>
    %lt3A_54 = arith.cmpf olt, %sub3A_53, %min3A_44 : vector<1024x128xf32>
    %min3A_55 = arith.minimumf %min3A_44, %sub3A_53 : vector<1024x128xf32>
    %jit3A_56 = arith.constant 4 : i32
    %broadcast_in_dim3A_57 = vector.broadcast %jit3A_56 : i32 to vector<1024x128xi32>
    %select_n3A_58 = arith.select %lt3A_54, %broadcast_in_dim3A_57, %select_n3A_47 : vector<1024x128xi1>, vector<1024x128xi32>
    %slice3A_59 = vector.extract_strided_slice %broadcast_in_dim3A_12 {offsets = [0, 640], sizes = [1, 128], strides = [1, 1]} : vector<1x8192xf32> to vector<1x128xf32>
    %add3A_60 = vector.broadcast %broadcast_in_dim3A : vector<1024x1xf32> to vector<1024x128xf32>
    %add3A_61 = vector.broadcast %slice3A_59 : vector<1x128xf32> to vector<1024x128xf32>
    %add3A_62 = arith.addf %add3A_60, %add3A_61 : vector<1024x128xf32>
    %slice3A_63 = vector.extract_strided_slice %dot_general3A_7 {offsets = [0, 640], sizes = [1024, 128], strides = [1, 1]} : vector<1024x8192xf32> to vector<1024x128xf32>
    %sub3A_64 = arith.subf %add3A_62, %slice3A_63 : vector<1024x128xf32>
    %lt3A_65 = arith.cmpf olt, %sub3A_64, %min3A_55 : vector<1024x128xf32>
    %min3A_66 = arith.minimumf %min3A_55, %sub3A_64 : vector<1024x128xf32>
    %jit3A_67 = arith.constant 5 : i32
    %broadcast_in_dim3A_68 = vector.broadcast %jit3A_67 : i32 to vector<1024x128xi32>
    %select_n3A_69 = arith.select %lt3A_65, %broadcast_in_dim3A_68, %select_n3A_58 : vector<1024x128xi1>, vector<1024x128xi32>
    %slice3A_70 = vector.extract_strided_slice %broadcast_in_dim3A_12 {offsets = [0, 768], sizes = [1, 128], strides = [1, 1]} : vector<1x8192xf32> to vector<1x128xf32>
    %add3A_71 = vector.broadcast %broadcast_in_dim3A : vector<1024x1xf32> to vector<1024x128xf32>
    %add3A_72 = vector.broadcast %slice3A_70 : vector<1x128xf32> to vector<1024x128xf32>
    %add3A_73 = arith.addf %add3A_71, %add3A_72 : vector<1024x128xf32>
    %slice3A_74 = vector.extract_strided_slice %dot_general3A_7 {offsets = [0, 768], sizes = [1024, 128], strides = [1, 1]} : vector<1024x8192xf32> to vector<1024x128xf32>
    %sub3A_75 = arith.subf %add3A_73, %slice3A_74 : vector<1024x128xf32>
    %lt3A_76 = arith.cmpf olt, %sub3A_75, %min3A_66 : vector<1024x128xf32>
    %min3A_77 = arith.minimumf %min3A_66, %sub3A_75 : vector<1024x128xf32>
    %jit3A_78 = arith.constant 6 : i32
    %broadcast_in_dim3A_79 = vector.broadcast %jit3A_78 : i32 to vector<1024x128xi32>
    %select_n3A_80 = arith.select %lt3A_76, %broadcast_in_dim3A_79, %select_n3A_69 : vector<1024x128xi1>, vector<1024x128xi32>
    %slice3A_81 = vector.extract_strided_slice %broadcast_in_dim3A_12 {offsets = [0, 896], sizes = [1, 128], strides = [1, 1]} : vector<1x8192xf32> to vector<1x128xf32>
    %add3A_82 = vector.broadcast %broadcast_in_dim3A : vector<1024x1xf32> to vector<1024x128xf32>
    %add3A_83 = vector.broadcast %slice3A_81 : vector<1x128xf32> to vector<1024x128xf32>
    %add3A_84 = arith.addf %add3A_82, %add3A_83 : vector<1024x128xf32>
    %slice3A_85 = vector.extract_strided_slice %dot_general3A_7 {offsets = [0, 896], sizes = [1024, 128], strides = [1, 1]} : vector<1024x8192xf32> to vector<1024x128xf32>
    %sub3A_86 = arith.subf %add3A_84, %slice3A_85 : vector<1024x128xf32>
    %lt3A_87 = arith.cmpf olt, %sub3A_86, %min3A_77 : vector<1024x128xf32>
    %min3A_88 = arith.minimumf %min3A_77, %sub3A_86 : vector<1024x128xf32>
    %jit3A_89 = arith.constant 7 : i32
    %broadcast_in_dim3A_90 = vector.broadcast %jit3A_89 : i32 to vector<1024x128xi32>
    %select_n3A_91 = arith.select %lt3A_87, %broadcast_in_dim3A_90, %select_n3A_80 : vector<1024x128xi1>, vector<1024x128xi32>
    %slice3A_92 = vector.extract_strided_slice %broadcast_in_dim3A_12 {offsets = [0, 1024], sizes = [1, 128], strides = [1, 1]} : vector<1x8192xf32> to vector<1x128xf32>
    %add3A_93 = vector.broadcast %broadcast_in_dim3A : vector<1024x1xf32> to vector<1024x128xf32>
    %add3A_94 = vector.broadcast %slice3A_92 : vector<1x128xf32> to vector<1024x128xf32>
    %add3A_95 = arith.addf %add3A_93, %add3A_94 : vector<1024x128xf32>
    %slice3A_96 = vector.extract_strided_slice %dot_general3A_7 {offsets = [0, 1024], sizes = [1024, 128], strides = [1, 1]} : vector<1024x8192xf32> to vector<1024x128xf32>
    %sub3A_97 = arith.subf %add3A_95, %slice3A_96 : vector<1024x128xf32>
    %lt3A_98 = arith.cmpf olt, %sub3A_97, %min3A_88 : vector<1024x128xf32>
    %min3A_99 = arith.minimumf %min3A_88, %sub3A_97 : vector<1024x128xf32>
    %jit3A_100 = arith.constant 8 : i32
    %broadcast_in_dim3A_101 = vector.broadcast %jit3A_100 : i32 to vector<1024x128xi32>
    %select_n3A_102 = arith.select %lt3A_98, %broadcast_in_dim3A_101, %select_n3A_91 : vector<1024x128xi1>, vector<1024x128xi32>
    %slice3A_103 = vector.extract_strided_slice %broadcast_in_dim3A_12 {offsets = [0, 1152], sizes = [1, 128], strides = [1, 1]} : vector<1x8192xf32> to vector<1x128xf32>
    %add3A_104 = vector.broadcast %broadcast_in_dim3A : vector<1024x1xf32> to vector<1024x128xf32>
    %add3A_105 = vector.broadcast %slice3A_103 : vector<1x128xf32> to vector<1024x128xf32>
    %add3A_106 = arith.addf %add3A_104, %add3A_105 : vector<1024x128xf32>
    %slice3A_107 = vector.extract_strided_slice %dot_general3A_7 {offsets = [0, 1152], sizes = [1024, 128], strides = [1, 1]} : vector<1024x8192xf32> to vector<1024x128xf32>
    %sub3A_108 = arith.subf %add3A_106, %slice3A_107 : vector<1024x128xf32>
    %lt3A_109 = arith.cmpf olt, %sub3A_108, %min3A_99 : vector<1024x128xf32>
    %min3A_110 = arith.minimumf %min3A_99, %sub3A_108 : vector<1024x128xf32>
    %jit3A_111 = arith.constant 9 : i32
    %broadcast_in_dim3A_112 = vector.broadcast %jit3A_111 : i32 to vector<1024x128xi32>
    %select_n3A_113 = arith.select %lt3A_109, %broadcast_in_dim3A_112, %select_n3A_102 : vector<1024x128xi1>, vector<1024x128xi32>
    %slice3A_114 = vector.extract_strided_slice %broadcast_in_dim3A_12 {offsets = [0, 1280], sizes = [1, 128], strides = [1, 1]} : vector<1x8192xf32> to vector<1x128xf32>
    %add3A_115 = vector.broadcast %broadcast_in_dim3A : vector<1024x1xf32> to vector<1024x128xf32>
    %add3A_116 = vector.broadcast %slice3A_114 : vector<1x128xf32> to vector<1024x128xf32>
    %add3A_117 = arith.addf %add3A_115, %add3A_116 : vector<1024x128xf32>
    %slice3A_118 = vector.extract_strided_slice %dot_general3A_7 {offsets = [0, 1280], sizes = [1024, 128], strides = [1, 1]} : vector<1024x8192xf32> to vector<1024x128xf32>
    %sub3A_119 = arith.subf %add3A_117, %slice3A_118 : vector<1024x128xf32>
    %lt3A_120 = arith.cmpf olt, %sub3A_119, %min3A_110 : vector<1024x128xf32>
    %min3A_121 = arith.minimumf %min3A_110, %sub3A_119 : vector<1024x128xf32>
    %jit3A_122 = arith.constant 10 : i32
    %broadcast_in_dim3A_123 = vector.broadcast %jit3A_122 : i32 to vector<1024x128xi32>
    %select_n3A_124 = arith.select %lt3A_120, %broadcast_in_dim3A_123, %select_n3A_113 : vector<1024x128xi1>, vector<1024x128xi32>
    %slice3A_125 = vector.extract_strided_slice %broadcast_in_dim3A_12 {offsets = [0, 1408], sizes = [1, 128], strides = [1, 1]} : vector<1x8192xf32> to vector<1x128xf32>
    %add3A_126 = vector.broadcast %broadcast_in_dim3A : vector<1024x1xf32> to vector<1024x128xf32>
    %add3A_127 = vector.broadcast %slice3A_125 : vector<1x128xf32> to vector<1024x128xf32>
    %add3A_128 = arith.addf %add3A_126, %add3A_127 : vector<1024x128xf32>
    %slice3A_129 = vector.extract_strided_slice %dot_general3A_7 {offsets = [0, 1408], sizes = [1024, 128], strides = [1, 1]} : vector<1024x8192xf32> to vector<1024x128xf32>
    %sub3A_130 = arith.subf %add3A_128, %slice3A_129 : vector<1024x128xf32>
    %lt3A_131 = arith.cmpf olt, %sub3A_130, %min3A_121 : vector<1024x128xf32>
    %min3A_132 = arith.minimumf %min3A_121, %sub3A_130 : vector<1024x128xf32>
    %jit3A_133 = arith.constant 11 : i32
    %broadcast_in_dim3A_134 = vector.broadcast %jit3A_133 : i32 to vector<1024x128xi32>
    %select_n3A_135 = arith.select %lt3A_131, %broadcast_in_dim3A_134, %select_n3A_124 : vector<1024x128xi1>, vector<1024x128xi32>
    %slice3A_136 = vector.extract_strided_slice %broadcast_in_dim3A_12 {offsets = [0, 1536], sizes = [1, 128], strides = [1, 1]} : vector<1x8192xf32> to vector<1x128xf32>
    %add3A_137 = vector.broadcast %broadcast_in_dim3A : vector<1024x1xf32> to vector<1024x128xf32>
    %add3A_138 = vector.broadcast %slice3A_136 : vector<1x128xf32> to vector<1024x128xf32>
    %add3A_139 = arith.addf %add3A_137, %add3A_138 : vector<1024x128xf32>
    %slice3A_140 = vector.extract_strided_slice %dot_general3A_7 {offsets = [0, 1536], sizes = [1024, 128], strides = [1, 1]} : vector<1024x8192xf32> to vector<1024x128xf32>
    %sub3A_141 = arith.subf %add3A_139, %slice3A_140 : vector<1024x128xf32>
    %lt3A_142 = arith.cmpf olt, %sub3A_141, %min3A_132 : vector<1024x128xf32>
    %min3A_143 = arith.minimumf %min3A_132, %sub3A_141 : vector<1024x128xf32>
    %jit3A_144 = arith.constant 12 : i32
    %broadcast_in_dim3A_145 = vector.broadcast %jit3A_144 : i32 to vector<1024x128xi32>
    %select_n3A_146 = arith.select %lt3A_142, %broadcast_in_dim3A_145, %select_n3A_135 : vector<1024x128xi1>, vector<1024x128xi32>
    %slice3A_147 = vector.extract_strided_slice %broadcast_in_dim3A_12 {offsets = [0, 1664], sizes = [1, 128], strides = [1, 1]} : vector<1x8192xf32> to vector<1x128xf32>
    %add3A_148 = vector.broadcast %broadcast_in_dim3A : vector<1024x1xf32> to vector<1024x128xf32>
    %add3A_149 = vector.broadcast %slice3A_147 : vector<1x128xf32> to vector<1024x128xf32>
    %add3A_150 = arith.addf %add3A_148, %add3A_149 : vector<1024x128xf32>
    %slice3A_151 = vector.extract_strided_slice %dot_general3A_7 {offsets = [0, 1664], sizes = [1024, 128], strides = [1, 1]} : vector<1024x8192xf32> to vector<1024x128xf32>
    %sub3A_152 = arith.subf %add3A_150, %slice3A_151 : vector<1024x128xf32>
    %lt3A_153 = arith.cmpf olt, %sub3A_152, %min3A_143 : vector<1024x128xf32>
    %min3A_154 = arith.minimumf %min3A_143, %sub3A_152 : vector<1024x128xf32>
    %jit3A_155 = arith.constant 13 : i32
    %broadcast_in_dim3A_156 = vector.broadcast %jit3A_155 : i32 to vector<1024x128xi32>
    %select_n3A_157 = arith.select %lt3A_153, %broadcast_in_dim3A_156, %select_n3A_146 : vector<1024x128xi1>, vector<1024x128xi32>
    %slice3A_158 = vector.extract_strided_slice %broadcast_in_dim3A_12 {offsets = [0, 1792], sizes = [1, 128], strides = [1, 1]} : vector<1x8192xf32> to vector<1x128xf32>
    %add3A_159 = vector.broadcast %broadcast_in_dim3A : vector<1024x1xf32> to vector<1024x128xf32>
    %add3A_160 = vector.broadcast %slice3A_158 : vector<1x128xf32> to vector<1024x128xf32>
    %add3A_161 = arith.addf %add3A_159, %add3A_160 : vector<1024x128xf32>
    %slice3A_162 = vector.extract_strided_slice %dot_general3A_7 {offsets = [0, 1792], sizes = [1024, 128], strides = [1, 1]} : vector<1024x8192xf32> to vector<1024x128xf32>
    %sub3A_163 = arith.subf %add3A_161, %slice3A_162 : vector<1024x128xf32>
    %lt3A_164 = arith.cmpf olt, %sub3A_163, %min3A_154 : vector<1024x128xf32>
    %min3A_165 = arith.minimumf %min3A_154, %sub3A_163 : vector<1024x128xf32>
    %jit3A_166 = arith.constant 14 : i32
    %broadcast_in_dim3A_167 = vector.broadcast %jit3A_166 : i32 to vector<1024x128xi32>
    %select_n3A_168 = arith.select %lt3A_164, %broadcast_in_dim3A_167, %select_n3A_157 : vector<1024x128xi1>, vector<1024x128xi32>
    %slice3A_169 = vector.extract_strided_slice %broadcast_in_dim3A_12 {offsets = [0, 1920], sizes = [1, 128], strides = [1, 1]} : vector<1x8192xf32> to vector<1x128xf32>
    %add3A_170 = vector.broadcast %broadcast_in_dim3A : vector<1024x1xf32> to vector<1024x128xf32>
    %add3A_171 = vector.broadcast %slice3A_169 : vector<1x128xf32> to vector<1024x128xf32>
    %add3A_172 = arith.addf %add3A_170, %add3A_171 : vector<1024x128xf32>
    %slice3A_173 = vector.extract_strided_slice %dot_general3A_7 {offsets = [0, 1920], sizes = [1024, 128], strides = [1, 1]} : vector<1024x8192xf32> to vector<1024x128xf32>
    %sub3A_174 = arith.subf %add3A_172, %slice3A_173 : vector<1024x128xf32>
    %lt3A_175 = arith.cmpf olt, %sub3A_174, %min3A_165 : vector<1024x128xf32>
    %min3A_176 = arith.minimumf %min3A_165, %sub3A_174 : vector<1024x128xf32>
    %jit3A_177 = arith.constant 15 : i32
    %broadcast_in_dim3A_178 = vector.broadcast %jit3A_177 : i32 to vector<1024x128xi32>
    %select_n3A_179 = arith.select %lt3A_175, %broadcast_in_dim3A_178, %select_n3A_168 : vector<1024x128xi1>, vector<1024x128xi32>
    %slice3A_180 = vector.extract_strided_slice %broadcast_in_dim3A_12 {offsets = [0, 2048], sizes = [1, 128], strides = [1, 1]} : vector<1x8192xf32> to vector<1x128xf32>
    %add3A_181 = vector.broadcast %broadcast_in_dim3A : vector<1024x1xf32> to vector<1024x128xf32>
    %add3A_182 = vector.broadcast %slice3A_180 : vector<1x128xf32> to vector<1024x128xf32>
    %add3A_183 = arith.addf %add3A_181, %add3A_182 : vector<1024x128xf32>
    %slice3A_184 = vector.extract_strided_slice %dot_general3A_7 {offsets = [0, 2048], sizes = [1024, 128], strides = [1, 1]} : vector<1024x8192xf32> to vector<1024x128xf32>
    %sub3A_185 = arith.subf %add3A_183, %slice3A_184 : vector<1024x128xf32>
    %lt3A_186 = arith.cmpf olt, %sub3A_185, %min3A_176 : vector<1024x128xf32>
    %min3A_187 = arith.minimumf %min3A_176, %sub3A_185 : vector<1024x128xf32>
    %jit3A_188 = arith.constant 16 : i32
    %broadcast_in_dim3A_189 = vector.broadcast %jit3A_188 : i32 to vector<1024x128xi32>
    %select_n3A_190 = arith.select %lt3A_186, %broadcast_in_dim3A_189, %select_n3A_179 : vector<1024x128xi1>, vector<1024x128xi32>
    %slice3A_191 = vector.extract_strided_slice %broadcast_in_dim3A_12 {offsets = [0, 2176], sizes = [1, 128], strides = [1, 1]} : vector<1x8192xf32> to vector<1x128xf32>
    %add3A_192 = vector.broadcast %broadcast_in_dim3A : vector<1024x1xf32> to vector<1024x128xf32>
    %add3A_193 = vector.broadcast %slice3A_191 : vector<1x128xf32> to vector<1024x128xf32>
    %add3A_194 = arith.addf %add3A_192, %add3A_193 : vector<1024x128xf32>
    %slice3A_195 = vector.extract_strided_slice %dot_general3A_7 {offsets = [0, 2176], sizes = [1024, 128], strides = [1, 1]} : vector<1024x8192xf32> to vector<1024x128xf32>
    %sub3A_196 = arith.subf %add3A_194, %slice3A_195 : vector<1024x128xf32>
    %lt3A_197 = arith.cmpf olt, %sub3A_196, %min3A_187 : vector<1024x128xf32>
    %min3A_198 = arith.minimumf %min3A_187, %sub3A_196 : vector<1024x128xf32>
    %jit3A_199 = arith.constant 17 : i32
    %broadcast_in_dim3A_200 = vector.broadcast %jit3A_199 : i32 to vector<1024x128xi32>
    %select_n3A_201 = arith.select %lt3A_197, %broadcast_in_dim3A_200, %select_n3A_190 : vector<1024x128xi1>, vector<1024x128xi32>
    %slice3A_202 = vector.extract_strided_slice %broadcast_in_dim3A_12 {offsets = [0, 2304], sizes = [1, 128], strides = [1, 1]} : vector<1x8192xf32> to vector<1x128xf32>
    %add3A_203 = vector.broadcast %broadcast_in_dim3A : vector<1024x1xf32> to vector<1024x128xf32>
    %add3A_204 = vector.broadcast %slice3A_202 : vector<1x128xf32> to vector<1024x128xf32>
    %add3A_205 = arith.addf %add3A_203, %add3A_204 : vector<1024x128xf32>
    %slice3A_206 = vector.extract_strided_slice %dot_general3A_7 {offsets = [0, 2304], sizes = [1024, 128], strides = [1, 1]} : vector<1024x8192xf32> to vector<1024x128xf32>
    %sub3A_207 = arith.subf %add3A_205, %slice3A_206 : vector<1024x128xf32>
    %lt3A_208 = arith.cmpf olt, %sub3A_207, %min3A_198 : vector<1024x128xf32>
    %min3A_209 = arith.minimumf %min3A_198, %sub3A_207 : vector<1024x128xf32>
    %jit3A_210 = arith.constant 18 : i32
    %broadcast_in_dim3A_211 = vector.broadcast %jit3A_210 : i32 to vector<1024x128xi32>
    %select_n3A_212 = arith.select %lt3A_208, %broadcast_in_dim3A_211, %select_n3A_201 : vector<1024x128xi1>, vector<1024x128xi32>
    %slice3A_213 = vector.extract_strided_slice %broadcast_in_dim3A_12 {offsets = [0, 2432], sizes = [1, 128], strides = [1, 1]} : vector<1x8192xf32> to vector<1x128xf32>
    %add3A_214 = vector.broadcast %broadcast_in_dim3A : vector<1024x1xf32> to vector<1024x128xf32>
    %add3A_215 = vector.broadcast %slice3A_213 : vector<1x128xf32> to vector<1024x128xf32>
    %add3A_216 = arith.addf %add3A_214, %add3A_215 : vector<1024x128xf32>
    %slice3A_217 = vector.extract_strided_slice %dot_general3A_7 {offsets = [0, 2432], sizes = [1024, 128], strides = [1, 1]} : vector<1024x8192xf32> to vector<1024x128xf32>
    %sub3A_218 = arith.subf %add3A_216, %slice3A_217 : vector<1024x128xf32>
    %lt3A_219 = arith.cmpf olt, %sub3A_218, %min3A_209 : vector<1024x128xf32>
    %min3A_220 = arith.minimumf %min3A_209, %sub3A_218 : vector<1024x128xf32>
    %jit3A_221 = arith.constant 19 : i32
    %broadcast_in_dim3A_222 = vector.broadcast %jit3A_221 : i32 to vector<1024x128xi32>
    %select_n3A_223 = arith.select %lt3A_219, %broadcast_in_dim3A_222, %select_n3A_212 : vector<1024x128xi1>, vector<1024x128xi32>
    %slice3A_224 = vector.extract_strided_slice %broadcast_in_dim3A_12 {offsets = [0, 2560], sizes = [1, 128], strides = [1, 1]} : vector<1x8192xf32> to vector<1x128xf32>
    %add3A_225 = vector.broadcast %broadcast_in_dim3A : vector<1024x1xf32> to vector<1024x128xf32>
    %add3A_226 = vector.broadcast %slice3A_224 : vector<1x128xf32> to vector<1024x128xf32>
    %add3A_227 = arith.addf %add3A_225, %add3A_226 : vector<1024x128xf32>
    %slice3A_228 = vector.extract_strided_slice %dot_general3A_7 {offsets = [0, 2560], sizes = [1024, 128], strides = [1, 1]} : vector<1024x8192xf32> to vector<1024x128xf32>
    %sub3A_229 = arith.subf %add3A_227, %slice3A_228 : vector<1024x128xf32>
    %lt3A_230 = arith.cmpf olt, %sub3A_229, %min3A_220 : vector<1024x128xf32>
    %min3A_231 = arith.minimumf %min3A_220, %sub3A_229 : vector<1024x128xf32>
    %jit3A_232 = arith.constant 20 : i32
    %broadcast_in_dim3A_233 = vector.broadcast %jit3A_232 : i32 to vector<1024x128xi32>
    %select_n3A_234 = arith.select %lt3A_230, %broadcast_in_dim3A_233, %select_n3A_223 : vector<1024x128xi1>, vector<1024x128xi32>
    %slice3A_235 = vector.extract_strided_slice %broadcast_in_dim3A_12 {offsets = [0, 2688], sizes = [1, 128], strides = [1, 1]} : vector<1x8192xf32> to vector<1x128xf32>
    %add3A_236 = vector.broadcast %broadcast_in_dim3A : vector<1024x1xf32> to vector<1024x128xf32>
    %add3A_237 = vector.broadcast %slice3A_235 : vector<1x128xf32> to vector<1024x128xf32>
    %add3A_238 = arith.addf %add3A_236, %add3A_237 : vector<1024x128xf32>
    %slice3A_239 = vector.extract_strided_slice %dot_general3A_7 {offsets = [0, 2688], sizes = [1024, 128], strides = [1, 1]} : vector<1024x8192xf32> to vector<1024x128xf32>
    %sub3A_240 = arith.subf %add3A_238, %slice3A_239 : vector<1024x128xf32>
    %lt3A_241 = arith.cmpf olt, %sub3A_240, %min3A_231 : vector<1024x128xf32>
    %min3A_242 = arith.minimumf %min3A_231, %sub3A_240 : vector<1024x128xf32>
    %jit3A_243 = arith.constant 21 : i32
    %broadcast_in_dim3A_244 = vector.broadcast %jit3A_243 : i32 to vector<1024x128xi32>
    %select_n3A_245 = arith.select %lt3A_241, %broadcast_in_dim3A_244, %select_n3A_234 : vector<1024x128xi1>, vector<1024x128xi32>
    %slice3A_246 = vector.extract_strided_slice %broadcast_in_dim3A_12 {offsets = [0, 2816], sizes = [1, 128], strides = [1, 1]} : vector<1x8192xf32> to vector<1x128xf32>
    %add3A_247 = vector.broadcast %broadcast_in_dim3A : vector<1024x1xf32> to vector<1024x128xf32>
    %add3A_248 = vector.broadcast %slice3A_246 : vector<1x128xf32> to vector<1024x128xf32>
    %add3A_249 = arith.addf %add3A_247, %add3A_248 : vector<1024x128xf32>
    %slice3A_250 = vector.extract_strided_slice %dot_general3A_7 {offsets = [0, 2816], sizes = [1024, 128], strides = [1, 1]} : vector<1024x8192xf32> to vector<1024x128xf32>
    %sub3A_251 = arith.subf %add3A_249, %slice3A_250 : vector<1024x128xf32>
    %lt3A_252 = arith.cmpf olt, %sub3A_251, %min3A_242 : vector<1024x128xf32>
    %min3A_253 = arith.minimumf %min3A_242, %sub3A_251 : vector<1024x128xf32>
    %jit3A_254 = arith.constant 22 : i32
    %broadcast_in_dim3A_255 = vector.broadcast %jit3A_254 : i32 to vector<1024x128xi32>
    %select_n3A_256 = arith.select %lt3A_252, %broadcast_in_dim3A_255, %select_n3A_245 : vector<1024x128xi1>, vector<1024x128xi32>
    %slice3A_257 = vector.extract_strided_slice %broadcast_in_dim3A_12 {offsets = [0, 2944], sizes = [1, 128], strides = [1, 1]} : vector<1x8192xf32> to vector<1x128xf32>
    %add3A_258 = vector.broadcast %broadcast_in_dim3A : vector<1024x1xf32> to vector<1024x128xf32>
    %add3A_259 = vector.broadcast %slice3A_257 : vector<1x128xf32> to vector<1024x128xf32>
    %add3A_260 = arith.addf %add3A_258, %add3A_259 : vector<1024x128xf32>
    %slice3A_261 = vector.extract_strided_slice %dot_general3A_7 {offsets = [0, 2944], sizes = [1024, 128], strides = [1, 1]} : vector<1024x8192xf32> to vector<1024x128xf32>
    %sub3A_262 = arith.subf %add3A_260, %slice3A_261 : vector<1024x128xf32>
    %lt3A_263 = arith.cmpf olt, %sub3A_262, %min3A_253 : vector<1024x128xf32>
    %min3A_264 = arith.minimumf %min3A_253, %sub3A_262 : vector<1024x128xf32>
    %jit3A_265 = arith.constant 23 : i32
    %broadcast_in_dim3A_266 = vector.broadcast %jit3A_265 : i32 to vector<1024x128xi32>
    %select_n3A_267 = arith.select %lt3A_263, %broadcast_in_dim3A_266, %select_n3A_256 : vector<1024x128xi1>, vector<1024x128xi32>
    %slice3A_268 = vector.extract_strided_slice %broadcast_in_dim3A_12 {offsets = [0, 3072], sizes = [1, 128], strides = [1, 1]} : vector<1x8192xf32> to vector<1x128xf32>
    %add3A_269 = vector.broadcast %broadcast_in_dim3A : vector<1024x1xf32> to vector<1024x128xf32>
    %add3A_270 = vector.broadcast %slice3A_268 : vector<1x128xf32> to vector<1024x128xf32>
    %add3A_271 = arith.addf %add3A_269, %add3A_270 : vector<1024x128xf32>
    %slice3A_272 = vector.extract_strided_slice %dot_general3A_7 {offsets = [0, 3072], sizes = [1024, 128], strides = [1, 1]} : vector<1024x8192xf32> to vector<1024x128xf32>
    %sub3A_273 = arith.subf %add3A_271, %slice3A_272 : vector<1024x128xf32>
    %lt3A_274 = arith.cmpf olt, %sub3A_273, %min3A_264 : vector<1024x128xf32>
    %min3A_275 = arith.minimumf %min3A_264, %sub3A_273 : vector<1024x128xf32>
    %jit3A_276 = arith.constant 24 : i32
    %broadcast_in_dim3A_277 = vector.broadcast %jit3A_276 : i32 to vector<1024x128xi32>
    %select_n3A_278 = arith.select %lt3A_274, %broadcast_in_dim3A_277, %select_n3A_267 : vector<1024x128xi1>, vector<1024x128xi32>
    %slice3A_279 = vector.extract_strided_slice %broadcast_in_dim3A_12 {offsets = [0, 3200], sizes = [1, 128], strides = [1, 1]} : vector<1x8192xf32> to vector<1x128xf32>
    %add3A_280 = vector.broadcast %broadcast_in_dim3A : vector<1024x1xf32> to vector<1024x128xf32>
    %add3A_281 = vector.broadcast %slice3A_279 : vector<1x128xf32> to vector<1024x128xf32>
    %add3A_282 = arith.addf %add3A_280, %add3A_281 : vector<1024x128xf32>
    %slice3A_283 = vector.extract_strided_slice %dot_general3A_7 {offsets = [0, 3200], sizes = [1024, 128], strides = [1, 1]} : vector<1024x8192xf32> to vector<1024x128xf32>
    %sub3A_284 = arith.subf %add3A_282, %slice3A_283 : vector<1024x128xf32>
    %lt3A_285 = arith.cmpf olt, %sub3A_284, %min3A_275 : vector<1024x128xf32>
    %min3A_286 = arith.minimumf %min3A_275, %sub3A_284 : vector<1024x128xf32>
    %jit3A_287 = arith.constant 25 : i32
    %broadcast_in_dim3A_288 = vector.broadcast %jit3A_287 : i32 to vector<1024x128xi32>
    %select_n3A_289 = arith.select %lt3A_285, %broadcast_in_dim3A_288, %select_n3A_278 : vector<1024x128xi1>, vector<1024x128xi32>
    %slice3A_290 = vector.extract_strided_slice %broadcast_in_dim3A_12 {offsets = [0, 3328], sizes = [1, 128], strides = [1, 1]} : vector<1x8192xf32> to vector<1x128xf32>
    %add3A_291 = vector.broadcast %broadcast_in_dim3A : vector<1024x1xf32> to vector<1024x128xf32>
    %add3A_292 = vector.broadcast %slice3A_290 : vector<1x128xf32> to vector<1024x128xf32>
    %add3A_293 = arith.addf %add3A_291, %add3A_292 : vector<1024x128xf32>
    %slice3A_294 = vector.extract_strided_slice %dot_general3A_7 {offsets = [0, 3328], sizes = [1024, 128], strides = [1, 1]} : vector<1024x8192xf32> to vector<1024x128xf32>
    %sub3A_295 = arith.subf %add3A_293, %slice3A_294 : vector<1024x128xf32>
    %lt3A_296 = arith.cmpf olt, %sub3A_295, %min3A_286 : vector<1024x128xf32>
    %min3A_297 = arith.minimumf %min3A_286, %sub3A_295 : vector<1024x128xf32>
    %jit3A_298 = arith.constant 26 : i32
    %broadcast_in_dim3A_299 = vector.broadcast %jit3A_298 : i32 to vector<1024x128xi32>
    %select_n3A_300 = arith.select %lt3A_296, %broadcast_in_dim3A_299, %select_n3A_289 : vector<1024x128xi1>, vector<1024x128xi32>
    %slice3A_301 = vector.extract_strided_slice %broadcast_in_dim3A_12 {offsets = [0, 3456], sizes = [1, 128], strides = [1, 1]} : vector<1x8192xf32> to vector<1x128xf32>
    %add3A_302 = vector.broadcast %broadcast_in_dim3A : vector<1024x1xf32> to vector<1024x128xf32>
    %add3A_303 = vector.broadcast %slice3A_301 : vector<1x128xf32> to vector<1024x128xf32>
    %add3A_304 = arith.addf %add3A_302, %add3A_303 : vector<1024x128xf32>
    %slice3A_305 = vector.extract_strided_slice %dot_general3A_7 {offsets = [0, 3456], sizes = [1024, 128], strides = [1, 1]} : vector<1024x8192xf32> to vector<1024x128xf32>
    %sub3A_306 = arith.subf %add3A_304, %slice3A_305 : vector<1024x128xf32>
    %lt3A_307 = arith.cmpf olt, %sub3A_306, %min3A_297 : vector<1024x128xf32>
    %min3A_308 = arith.minimumf %min3A_297, %sub3A_306 : vector<1024x128xf32>
    %jit3A_309 = arith.constant 27 : i32
    %broadcast_in_dim3A_310 = vector.broadcast %jit3A_309 : i32 to vector<1024x128xi32>
    %select_n3A_311 = arith.select %lt3A_307, %broadcast_in_dim3A_310, %select_n3A_300 : vector<1024x128xi1>, vector<1024x128xi32>
    %slice3A_312 = vector.extract_strided_slice %broadcast_in_dim3A_12 {offsets = [0, 3584], sizes = [1, 128], strides = [1, 1]} : vector<1x8192xf32> to vector<1x128xf32>
    %add3A_313 = vector.broadcast %broadcast_in_dim3A : vector<1024x1xf32> to vector<1024x128xf32>
    %add3A_314 = vector.broadcast %slice3A_312 : vector<1x128xf32> to vector<1024x128xf32>
    %add3A_315 = arith.addf %add3A_313, %add3A_314 : vector<1024x128xf32>
    %slice3A_316 = vector.extract_strided_slice %dot_general3A_7 {offsets = [0, 3584], sizes = [1024, 128], strides = [1, 1]} : vector<1024x8192xf32> to vector<1024x128xf32>
    %sub3A_317 = arith.subf %add3A_315, %slice3A_316 : vector<1024x128xf32>
    %lt3A_318 = arith.cmpf olt, %sub3A_317, %min3A_308 : vector<1024x128xf32>
    %min3A_319 = arith.minimumf %min3A_308, %sub3A_317 : vector<1024x128xf32>
    %jit3A_320 = arith.constant 28 : i32
    %broadcast_in_dim3A_321 = vector.broadcast %jit3A_320 : i32 to vector<1024x128xi32>
    %select_n3A_322 = arith.select %lt3A_318, %broadcast_in_dim3A_321, %select_n3A_311 : vector<1024x128xi1>, vector<1024x128xi32>
    %slice3A_323 = vector.extract_strided_slice %broadcast_in_dim3A_12 {offsets = [0, 3712], sizes = [1, 128], strides = [1, 1]} : vector<1x8192xf32> to vector<1x128xf32>
    %add3A_324 = vector.broadcast %broadcast_in_dim3A : vector<1024x1xf32> to vector<1024x128xf32>
    %add3A_325 = vector.broadcast %slice3A_323 : vector<1x128xf32> to vector<1024x128xf32>
    %add3A_326 = arith.addf %add3A_324, %add3A_325 : vector<1024x128xf32>
    %slice3A_327 = vector.extract_strided_slice %dot_general3A_7 {offsets = [0, 3712], sizes = [1024, 128], strides = [1, 1]} : vector<1024x8192xf32> to vector<1024x128xf32>
    %sub3A_328 = arith.subf %add3A_326, %slice3A_327 : vector<1024x128xf32>
    %lt3A_329 = arith.cmpf olt, %sub3A_328, %min3A_319 : vector<1024x128xf32>
    %min3A_330 = arith.minimumf %min3A_319, %sub3A_328 : vector<1024x128xf32>
    %jit3A_331 = arith.constant 29 : i32
    %broadcast_in_dim3A_332 = vector.broadcast %jit3A_331 : i32 to vector<1024x128xi32>
    %select_n3A_333 = arith.select %lt3A_329, %broadcast_in_dim3A_332, %select_n3A_322 : vector<1024x128xi1>, vector<1024x128xi32>
    %slice3A_334 = vector.extract_strided_slice %broadcast_in_dim3A_12 {offsets = [0, 3840], sizes = [1, 128], strides = [1, 1]} : vector<1x8192xf32> to vector<1x128xf32>
    %add3A_335 = vector.broadcast %broadcast_in_dim3A : vector<1024x1xf32> to vector<1024x128xf32>
    %add3A_336 = vector.broadcast %slice3A_334 : vector<1x128xf32> to vector<1024x128xf32>
    %add3A_337 = arith.addf %add3A_335, %add3A_336 : vector<1024x128xf32>
    %slice3A_338 = vector.extract_strided_slice %dot_general3A_7 {offsets = [0, 3840], sizes = [1024, 128], strides = [1, 1]} : vector<1024x8192xf32> to vector<1024x128xf32>
    %sub3A_339 = arith.subf %add3A_337, %slice3A_338 : vector<1024x128xf32>
    %lt3A_340 = arith.cmpf olt, %sub3A_339, %min3A_330 : vector<1024x128xf32>
    %min3A_341 = arith.minimumf %min3A_330, %sub3A_339 : vector<1024x128xf32>
    %jit3A_342 = arith.constant 30 : i32
    %broadcast_in_dim3A_343 = vector.broadcast %jit3A_342 : i32 to vector<1024x128xi32>
    %select_n3A_344 = arith.select %lt3A_340, %broadcast_in_dim3A_343, %select_n3A_333 : vector<1024x128xi1>, vector<1024x128xi32>
    %slice3A_345 = vector.extract_strided_slice %broadcast_in_dim3A_12 {offsets = [0, 3968], sizes = [1, 128], strides = [1, 1]} : vector<1x8192xf32> to vector<1x128xf32>
    %add3A_346 = vector.broadcast %broadcast_in_dim3A : vector<1024x1xf32> to vector<1024x128xf32>
    %add3A_347 = vector.broadcast %slice3A_345 : vector<1x128xf32> to vector<1024x128xf32>
    %add3A_348 = arith.addf %add3A_346, %add3A_347 : vector<1024x128xf32>
    %slice3A_349 = vector.extract_strided_slice %dot_general3A_7 {offsets = [0, 3968], sizes = [1024, 128], strides = [1, 1]} : vector<1024x8192xf32> to vector<1024x128xf32>
    %sub3A_350 = arith.subf %add3A_348, %slice3A_349 : vector<1024x128xf32>
    %lt3A_351 = arith.cmpf olt, %sub3A_350, %min3A_341 : vector<1024x128xf32>
    %min3A_352 = arith.minimumf %min3A_341, %sub3A_350 : vector<1024x128xf32>
    %jit3A_353 = arith.constant 31 : i32
    %broadcast_in_dim3A_354 = vector.broadcast %jit3A_353 : i32 to vector<1024x128xi32>
    %select_n3A_355 = arith.select %lt3A_351, %broadcast_in_dim3A_354, %select_n3A_344 : vector<1024x128xi1>, vector<1024x128xi32>
    %slice3A_356 = vector.extract_strided_slice %broadcast_in_dim3A_12 {offsets = [0, 4096], sizes = [1, 128], strides = [1, 1]} : vector<1x8192xf32> to vector<1x128xf32>
    %add3A_357 = vector.broadcast %broadcast_in_dim3A : vector<1024x1xf32> to vector<1024x128xf32>
    %add3A_358 = vector.broadcast %slice3A_356 : vector<1x128xf32> to vector<1024x128xf32>
    %add3A_359 = arith.addf %add3A_357, %add3A_358 : vector<1024x128xf32>
    %slice3A_360 = vector.extract_strided_slice %dot_general3A_7 {offsets = [0, 4096], sizes = [1024, 128], strides = [1, 1]} : vector<1024x8192xf32> to vector<1024x128xf32>
    %sub3A_361 = arith.subf %add3A_359, %slice3A_360 : vector<1024x128xf32>
    %lt3A_362 = arith.cmpf olt, %sub3A_361, %min3A_352 : vector<1024x128xf32>
    %min3A_363 = arith.minimumf %min3A_352, %sub3A_361 : vector<1024x128xf32>
    %jit3A_364 = arith.constant 32 : i32
    %broadcast_in_dim3A_365 = vector.broadcast %jit3A_364 : i32 to vector<1024x128xi32>
    %select_n3A_366 = arith.select %lt3A_362, %broadcast_in_dim3A_365, %select_n3A_355 : vector<1024x128xi1>, vector<1024x128xi32>
    %slice3A_367 = vector.extract_strided_slice %broadcast_in_dim3A_12 {offsets = [0, 4224], sizes = [1, 128], strides = [1, 1]} : vector<1x8192xf32> to vector<1x128xf32>
    %add3A_368 = vector.broadcast %broadcast_in_dim3A : vector<1024x1xf32> to vector<1024x128xf32>
    %add3A_369 = vector.broadcast %slice3A_367 : vector<1x128xf32> to vector<1024x128xf32>
    %add3A_370 = arith.addf %add3A_368, %add3A_369 : vector<1024x128xf32>
    %slice3A_371 = vector.extract_strided_slice %dot_general3A_7 {offsets = [0, 4224], sizes = [1024, 128], strides = [1, 1]} : vector<1024x8192xf32> to vector<1024x128xf32>
    %sub3A_372 = arith.subf %add3A_370, %slice3A_371 : vector<1024x128xf32>
    %lt3A_373 = arith.cmpf olt, %sub3A_372, %min3A_363 : vector<1024x128xf32>
    %min3A_374 = arith.minimumf %min3A_363, %sub3A_372 : vector<1024x128xf32>
    %jit3A_375 = arith.constant 33 : i32
    %broadcast_in_dim3A_376 = vector.broadcast %jit3A_375 : i32 to vector<1024x128xi32>
    %select_n3A_377 = arith.select %lt3A_373, %broadcast_in_dim3A_376, %select_n3A_366 : vector<1024x128xi1>, vector<1024x128xi32>
    %slice3A_378 = vector.extract_strided_slice %broadcast_in_dim3A_12 {offsets = [0, 4352], sizes = [1, 128], strides = [1, 1]} : vector<1x8192xf32> to vector<1x128xf32>
    %add3A_379 = vector.broadcast %broadcast_in_dim3A : vector<1024x1xf32> to vector<1024x128xf32>
    %add3A_380 = vector.broadcast %slice3A_378 : vector<1x128xf32> to vector<1024x128xf32>
    %add3A_381 = arith.addf %add3A_379, %add3A_380 : vector<1024x128xf32>
    %slice3A_382 = vector.extract_strided_slice %dot_general3A_7 {offsets = [0, 4352], sizes = [1024, 128], strides = [1, 1]} : vector<1024x8192xf32> to vector<1024x128xf32>
    %sub3A_383 = arith.subf %add3A_381, %slice3A_382 : vector<1024x128xf32>
    %lt3A_384 = arith.cmpf olt, %sub3A_383, %min3A_374 : vector<1024x128xf32>
    %min3A_385 = arith.minimumf %min3A_374, %sub3A_383 : vector<1024x128xf32>
    %jit3A_386 = arith.constant 34 : i32
    %broadcast_in_dim3A_387 = vector.broadcast %jit3A_386 : i32 to vector<1024x128xi32>
    %select_n3A_388 = arith.select %lt3A_384, %broadcast_in_dim3A_387, %select_n3A_377 : vector<1024x128xi1>, vector<1024x128xi32>
    %slice3A_389 = vector.extract_strided_slice %broadcast_in_dim3A_12 {offsets = [0, 4480], sizes = [1, 128], strides = [1, 1]} : vector<1x8192xf32> to vector<1x128xf32>
    %add3A_390 = vector.broadcast %broadcast_in_dim3A : vector<1024x1xf32> to vector<1024x128xf32>
    %add3A_391 = vector.broadcast %slice3A_389 : vector<1x128xf32> to vector<1024x128xf32>
    %add3A_392 = arith.addf %add3A_390, %add3A_391 : vector<1024x128xf32>
    %slice3A_393 = vector.extract_strided_slice %dot_general3A_7 {offsets = [0, 4480], sizes = [1024, 128], strides = [1, 1]} : vector<1024x8192xf32> to vector<1024x128xf32>
    %sub3A_394 = arith.subf %add3A_392, %slice3A_393 : vector<1024x128xf32>
    %lt3A_395 = arith.cmpf olt, %sub3A_394, %min3A_385 : vector<1024x128xf32>
    %min3A_396 = arith.minimumf %min3A_385, %sub3A_394 : vector<1024x128xf32>
    %jit3A_397 = arith.constant 35 : i32
    %broadcast_in_dim3A_398 = vector.broadcast %jit3A_397 : i32 to vector<1024x128xi32>
    %select_n3A_399 = arith.select %lt3A_395, %broadcast_in_dim3A_398, %select_n3A_388 : vector<1024x128xi1>, vector<1024x128xi32>
    %slice3A_400 = vector.extract_strided_slice %broadcast_in_dim3A_12 {offsets = [0, 4608], sizes = [1, 128], strides = [1, 1]} : vector<1x8192xf32> to vector<1x128xf32>
    %add3A_401 = vector.broadcast %broadcast_in_dim3A : vector<1024x1xf32> to vector<1024x128xf32>
    %add3A_402 = vector.broadcast %slice3A_400 : vector<1x128xf32> to vector<1024x128xf32>
    %add3A_403 = arith.addf %add3A_401, %add3A_402 : vector<1024x128xf32>
    %slice3A_404 = vector.extract_strided_slice %dot_general3A_7 {offsets = [0, 4608], sizes = [1024, 128], strides = [1, 1]} : vector<1024x8192xf32> to vector<1024x128xf32>
    %sub3A_405 = arith.subf %add3A_403, %slice3A_404 : vector<1024x128xf32>
    %lt3A_406 = arith.cmpf olt, %sub3A_405, %min3A_396 : vector<1024x128xf32>
    %min3A_407 = arith.minimumf %min3A_396, %sub3A_405 : vector<1024x128xf32>
    %jit3A_408 = arith.constant 36 : i32
    %broadcast_in_dim3A_409 = vector.broadcast %jit3A_408 : i32 to vector<1024x128xi32>
    %select_n3A_410 = arith.select %lt3A_406, %broadcast_in_dim3A_409, %select_n3A_399 : vector<1024x128xi1>, vector<1024x128xi32>
    %slice3A_411 = vector.extract_strided_slice %broadcast_in_dim3A_12 {offsets = [0, 4736], sizes = [1, 128], strides = [1, 1]} : vector<1x8192xf32> to vector<1x128xf32>
    %add3A_412 = vector.broadcast %broadcast_in_dim3A : vector<1024x1xf32> to vector<1024x128xf32>
    %add3A_413 = vector.broadcast %slice3A_411 : vector<1x128xf32> to vector<1024x128xf32>
    %add3A_414 = arith.addf %add3A_412, %add3A_413 : vector<1024x128xf32>
    %slice3A_415 = vector.extract_strided_slice %dot_general3A_7 {offsets = [0, 4736], sizes = [1024, 128], strides = [1, 1]} : vector<1024x8192xf32> to vector<1024x128xf32>
    %sub3A_416 = arith.subf %add3A_414, %slice3A_415 : vector<1024x128xf32>
    %lt3A_417 = arith.cmpf olt, %sub3A_416, %min3A_407 : vector<1024x128xf32>
    %min3A_418 = arith.minimumf %min3A_407, %sub3A_416 : vector<1024x128xf32>
    %jit3A_419 = arith.constant 37 : i32
    %broadcast_in_dim3A_420 = vector.broadcast %jit3A_419 : i32 to vector<1024x128xi32>
    %select_n3A_421 = arith.select %lt3A_417, %broadcast_in_dim3A_420, %select_n3A_410 : vector<1024x128xi1>, vector<1024x128xi32>
    %slice3A_422 = vector.extract_strided_slice %broadcast_in_dim3A_12 {offsets = [0, 4864], sizes = [1, 128], strides = [1, 1]} : vector<1x8192xf32> to vector<1x128xf32>
    %add3A_423 = vector.broadcast %broadcast_in_dim3A : vector<1024x1xf32> to vector<1024x128xf32>
    %add3A_424 = vector.broadcast %slice3A_422 : vector<1x128xf32> to vector<1024x128xf32>
    %add3A_425 = arith.addf %add3A_423, %add3A_424 : vector<1024x128xf32>
    %slice3A_426 = vector.extract_strided_slice %dot_general3A_7 {offsets = [0, 4864], sizes = [1024, 128], strides = [1, 1]} : vector<1024x8192xf32> to vector<1024x128xf32>
    %sub3A_427 = arith.subf %add3A_425, %slice3A_426 : vector<1024x128xf32>
    %lt3A_428 = arith.cmpf olt, %sub3A_427, %min3A_418 : vector<1024x128xf32>
    %min3A_429 = arith.minimumf %min3A_418, %sub3A_427 : vector<1024x128xf32>
    %jit3A_430 = arith.constant 38 : i32
    %broadcast_in_dim3A_431 = vector.broadcast %jit3A_430 : i32 to vector<1024x128xi32>
    %select_n3A_432 = arith.select %lt3A_428, %broadcast_in_dim3A_431, %select_n3A_421 : vector<1024x128xi1>, vector<1024x128xi32>
    %slice3A_433 = vector.extract_strided_slice %broadcast_in_dim3A_12 {offsets = [0, 4992], sizes = [1, 128], strides = [1, 1]} : vector<1x8192xf32> to vector<1x128xf32>
    %add3A_434 = vector.broadcast %broadcast_in_dim3A : vector<1024x1xf32> to vector<1024x128xf32>
    %add3A_435 = vector.broadcast %slice3A_433 : vector<1x128xf32> to vector<1024x128xf32>
    %add3A_436 = arith.addf %add3A_434, %add3A_435 : vector<1024x128xf32>
    %slice3A_437 = vector.extract_strided_slice %dot_general3A_7 {offsets = [0, 4992], sizes = [1024, 128], strides = [1, 1]} : vector<1024x8192xf32> to vector<1024x128xf32>
    %sub3A_438 = arith.subf %add3A_436, %slice3A_437 : vector<1024x128xf32>
    %lt3A_439 = arith.cmpf olt, %sub3A_438, %min3A_429 : vector<1024x128xf32>
    %min3A_440 = arith.minimumf %min3A_429, %sub3A_438 : vector<1024x128xf32>
    %jit3A_441 = arith.constant 39 : i32
    %broadcast_in_dim3A_442 = vector.broadcast %jit3A_441 : i32 to vector<1024x128xi32>
    %select_n3A_443 = arith.select %lt3A_439, %broadcast_in_dim3A_442, %select_n3A_432 : vector<1024x128xi1>, vector<1024x128xi32>
    %slice3A_444 = vector.extract_strided_slice %broadcast_in_dim3A_12 {offsets = [0, 5120], sizes = [1, 128], strides = [1, 1]} : vector<1x8192xf32> to vector<1x128xf32>
    %add3A_445 = vector.broadcast %broadcast_in_dim3A : vector<1024x1xf32> to vector<1024x128xf32>
    %add3A_446 = vector.broadcast %slice3A_444 : vector<1x128xf32> to vector<1024x128xf32>
    %add3A_447 = arith.addf %add3A_445, %add3A_446 : vector<1024x128xf32>
    %slice3A_448 = vector.extract_strided_slice %dot_general3A_7 {offsets = [0, 5120], sizes = [1024, 128], strides = [1, 1]} : vector<1024x8192xf32> to vector<1024x128xf32>
    %sub3A_449 = arith.subf %add3A_447, %slice3A_448 : vector<1024x128xf32>
    %lt3A_450 = arith.cmpf olt, %sub3A_449, %min3A_440 : vector<1024x128xf32>
    %min3A_451 = arith.minimumf %min3A_440, %sub3A_449 : vector<1024x128xf32>
    %jit3A_452 = arith.constant 40 : i32
    %broadcast_in_dim3A_453 = vector.broadcast %jit3A_452 : i32 to vector<1024x128xi32>
    %select_n3A_454 = arith.select %lt3A_450, %broadcast_in_dim3A_453, %select_n3A_443 : vector<1024x128xi1>, vector<1024x128xi32>
    %slice3A_455 = vector.extract_strided_slice %broadcast_in_dim3A_12 {offsets = [0, 5248], sizes = [1, 128], strides = [1, 1]} : vector<1x8192xf32> to vector<1x128xf32>
    %add3A_456 = vector.broadcast %broadcast_in_dim3A : vector<1024x1xf32> to vector<1024x128xf32>
    %add3A_457 = vector.broadcast %slice3A_455 : vector<1x128xf32> to vector<1024x128xf32>
    %add3A_458 = arith.addf %add3A_456, %add3A_457 : vector<1024x128xf32>
    %slice3A_459 = vector.extract_strided_slice %dot_general3A_7 {offsets = [0, 5248], sizes = [1024, 128], strides = [1, 1]} : vector<1024x8192xf32> to vector<1024x128xf32>
    %sub3A_460 = arith.subf %add3A_458, %slice3A_459 : vector<1024x128xf32>
    %lt3A_461 = arith.cmpf olt, %sub3A_460, %min3A_451 : vector<1024x128xf32>
    %min3A_462 = arith.minimumf %min3A_451, %sub3A_460 : vector<1024x128xf32>
    %jit3A_463 = arith.constant 41 : i32
    %broadcast_in_dim3A_464 = vector.broadcast %jit3A_463 : i32 to vector<1024x128xi32>
    %select_n3A_465 = arith.select %lt3A_461, %broadcast_in_dim3A_464, %select_n3A_454 : vector<1024x128xi1>, vector<1024x128xi32>
    %slice3A_466 = vector.extract_strided_slice %broadcast_in_dim3A_12 {offsets = [0, 5376], sizes = [1, 128], strides = [1, 1]} : vector<1x8192xf32> to vector<1x128xf32>
    %add3A_467 = vector.broadcast %broadcast_in_dim3A : vector<1024x1xf32> to vector<1024x128xf32>
    %add3A_468 = vector.broadcast %slice3A_466 : vector<1x128xf32> to vector<1024x128xf32>
    %add3A_469 = arith.addf %add3A_467, %add3A_468 : vector<1024x128xf32>
    %slice3A_470 = vector.extract_strided_slice %dot_general3A_7 {offsets = [0, 5376], sizes = [1024, 128], strides = [1, 1]} : vector<1024x8192xf32> to vector<1024x128xf32>
    %sub3A_471 = arith.subf %add3A_469, %slice3A_470 : vector<1024x128xf32>
    %lt3A_472 = arith.cmpf olt, %sub3A_471, %min3A_462 : vector<1024x128xf32>
    %min3A_473 = arith.minimumf %min3A_462, %sub3A_471 : vector<1024x128xf32>
    %jit3A_474 = arith.constant 42 : i32
    %broadcast_in_dim3A_475 = vector.broadcast %jit3A_474 : i32 to vector<1024x128xi32>
    %select_n3A_476 = arith.select %lt3A_472, %broadcast_in_dim3A_475, %select_n3A_465 : vector<1024x128xi1>, vector<1024x128xi32>
    %slice3A_477 = vector.extract_strided_slice %broadcast_in_dim3A_12 {offsets = [0, 5504], sizes = [1, 128], strides = [1, 1]} : vector<1x8192xf32> to vector<1x128xf32>
    %add3A_478 = vector.broadcast %broadcast_in_dim3A : vector<1024x1xf32> to vector<1024x128xf32>
    %add3A_479 = vector.broadcast %slice3A_477 : vector<1x128xf32> to vector<1024x128xf32>
    %add3A_480 = arith.addf %add3A_478, %add3A_479 : vector<1024x128xf32>
    %slice3A_481 = vector.extract_strided_slice %dot_general3A_7 {offsets = [0, 5504], sizes = [1024, 128], strides = [1, 1]} : vector<1024x8192xf32> to vector<1024x128xf32>
    %sub3A_482 = arith.subf %add3A_480, %slice3A_481 : vector<1024x128xf32>
    %lt3A_483 = arith.cmpf olt, %sub3A_482, %min3A_473 : vector<1024x128xf32>
    %min3A_484 = arith.minimumf %min3A_473, %sub3A_482 : vector<1024x128xf32>
    %jit3A_485 = arith.constant 43 : i32
    %broadcast_in_dim3A_486 = vector.broadcast %jit3A_485 : i32 to vector<1024x128xi32>
    %select_n3A_487 = arith.select %lt3A_483, %broadcast_in_dim3A_486, %select_n3A_476 : vector<1024x128xi1>, vector<1024x128xi32>
    %slice3A_488 = vector.extract_strided_slice %broadcast_in_dim3A_12 {offsets = [0, 5632], sizes = [1, 128], strides = [1, 1]} : vector<1x8192xf32> to vector<1x128xf32>
    %add3A_489 = vector.broadcast %broadcast_in_dim3A : vector<1024x1xf32> to vector<1024x128xf32>
    %add3A_490 = vector.broadcast %slice3A_488 : vector<1x128xf32> to vector<1024x128xf32>
    %add3A_491 = arith.addf %add3A_489, %add3A_490 : vector<1024x128xf32>
    %slice3A_492 = vector.extract_strided_slice %dot_general3A_7 {offsets = [0, 5632], sizes = [1024, 128], strides = [1, 1]} : vector<1024x8192xf32> to vector<1024x128xf32>
    %sub3A_493 = arith.subf %add3A_491, %slice3A_492 : vector<1024x128xf32>
    %lt3A_494 = arith.cmpf olt, %sub3A_493, %min3A_484 : vector<1024x128xf32>
    %min3A_495 = arith.minimumf %min3A_484, %sub3A_493 : vector<1024x128xf32>
    %jit3A_496 = arith.constant 44 : i32
    %broadcast_in_dim3A_497 = vector.broadcast %jit3A_496 : i32 to vector<1024x128xi32>
    %select_n3A_498 = arith.select %lt3A_494, %broadcast_in_dim3A_497, %select_n3A_487 : vector<1024x128xi1>, vector<1024x128xi32>
    %slice3A_499 = vector.extract_strided_slice %broadcast_in_dim3A_12 {offsets = [0, 5760], sizes = [1, 128], strides = [1, 1]} : vector<1x8192xf32> to vector<1x128xf32>
    %add3A_500 = vector.broadcast %broadcast_in_dim3A : vector<1024x1xf32> to vector<1024x128xf32>
    %add3A_501 = vector.broadcast %slice3A_499 : vector<1x128xf32> to vector<1024x128xf32>
    %add3A_502 = arith.addf %add3A_500, %add3A_501 : vector<1024x128xf32>
    %slice3A_503 = vector.extract_strided_slice %dot_general3A_7 {offsets = [0, 5760], sizes = [1024, 128], strides = [1, 1]} : vector<1024x8192xf32> to vector<1024x128xf32>
    %sub3A_504 = arith.subf %add3A_502, %slice3A_503 : vector<1024x128xf32>
    %lt3A_505 = arith.cmpf olt, %sub3A_504, %min3A_495 : vector<1024x128xf32>
    %min3A_506 = arith.minimumf %min3A_495, %sub3A_504 : vector<1024x128xf32>
    %jit3A_507 = arith.constant 45 : i32
    %broadcast_in_dim3A_508 = vector.broadcast %jit3A_507 : i32 to vector<1024x128xi32>
    %select_n3A_509 = arith.select %lt3A_505, %broadcast_in_dim3A_508, %select_n3A_498 : vector<1024x128xi1>, vector<1024x128xi32>
    %slice3A_510 = vector.extract_strided_slice %broadcast_in_dim3A_12 {offsets = [0, 5888], sizes = [1, 128], strides = [1, 1]} : vector<1x8192xf32> to vector<1x128xf32>
    %add3A_511 = vector.broadcast %broadcast_in_dim3A : vector<1024x1xf32> to vector<1024x128xf32>
    %add3A_512 = vector.broadcast %slice3A_510 : vector<1x128xf32> to vector<1024x128xf32>
    %add3A_513 = arith.addf %add3A_511, %add3A_512 : vector<1024x128xf32>
    %slice3A_514 = vector.extract_strided_slice %dot_general3A_7 {offsets = [0, 5888], sizes = [1024, 128], strides = [1, 1]} : vector<1024x8192xf32> to vector<1024x128xf32>
    %sub3A_515 = arith.subf %add3A_513, %slice3A_514 : vector<1024x128xf32>
    %lt3A_516 = arith.cmpf olt, %sub3A_515, %min3A_506 : vector<1024x128xf32>
    %min3A_517 = arith.minimumf %min3A_506, %sub3A_515 : vector<1024x128xf32>
    %jit3A_518 = arith.constant 46 : i32
    %broadcast_in_dim3A_519 = vector.broadcast %jit3A_518 : i32 to vector<1024x128xi32>
    %select_n3A_520 = arith.select %lt3A_516, %broadcast_in_dim3A_519, %select_n3A_509 : vector<1024x128xi1>, vector<1024x128xi32>
    %slice3A_521 = vector.extract_strided_slice %broadcast_in_dim3A_12 {offsets = [0, 6016], sizes = [1, 128], strides = [1, 1]} : vector<1x8192xf32> to vector<1x128xf32>
    %add3A_522 = vector.broadcast %broadcast_in_dim3A : vector<1024x1xf32> to vector<1024x128xf32>
    %add3A_523 = vector.broadcast %slice3A_521 : vector<1x128xf32> to vector<1024x128xf32>
    %add3A_524 = arith.addf %add3A_522, %add3A_523 : vector<1024x128xf32>
    %slice3A_525 = vector.extract_strided_slice %dot_general3A_7 {offsets = [0, 6016], sizes = [1024, 128], strides = [1, 1]} : vector<1024x8192xf32> to vector<1024x128xf32>
    %sub3A_526 = arith.subf %add3A_524, %slice3A_525 : vector<1024x128xf32>
    %lt3A_527 = arith.cmpf olt, %sub3A_526, %min3A_517 : vector<1024x128xf32>
    %min3A_528 = arith.minimumf %min3A_517, %sub3A_526 : vector<1024x128xf32>
    %jit3A_529 = arith.constant 47 : i32
    %broadcast_in_dim3A_530 = vector.broadcast %jit3A_529 : i32 to vector<1024x128xi32>
    %select_n3A_531 = arith.select %lt3A_527, %broadcast_in_dim3A_530, %select_n3A_520 : vector<1024x128xi1>, vector<1024x128xi32>
    %slice3A_532 = vector.extract_strided_slice %broadcast_in_dim3A_12 {offsets = [0, 6144], sizes = [1, 128], strides = [1, 1]} : vector<1x8192xf32> to vector<1x128xf32>
    %add3A_533 = vector.broadcast %broadcast_in_dim3A : vector<1024x1xf32> to vector<1024x128xf32>
    %add3A_534 = vector.broadcast %slice3A_532 : vector<1x128xf32> to vector<1024x128xf32>
    %add3A_535 = arith.addf %add3A_533, %add3A_534 : vector<1024x128xf32>
    %slice3A_536 = vector.extract_strided_slice %dot_general3A_7 {offsets = [0, 6144], sizes = [1024, 128], strides = [1, 1]} : vector<1024x8192xf32> to vector<1024x128xf32>
    %sub3A_537 = arith.subf %add3A_535, %slice3A_536 : vector<1024x128xf32>
    %lt3A_538 = arith.cmpf olt, %sub3A_537, %min3A_528 : vector<1024x128xf32>
    %min3A_539 = arith.minimumf %min3A_528, %sub3A_537 : vector<1024x128xf32>
    %jit3A_540 = arith.constant 48 : i32
    %broadcast_in_dim3A_541 = vector.broadcast %jit3A_540 : i32 to vector<1024x128xi32>
    %select_n3A_542 = arith.select %lt3A_538, %broadcast_in_dim3A_541, %select_n3A_531 : vector<1024x128xi1>, vector<1024x128xi32>
    %slice3A_543 = vector.extract_strided_slice %broadcast_in_dim3A_12 {offsets = [0, 6272], sizes = [1, 128], strides = [1, 1]} : vector<1x8192xf32> to vector<1x128xf32>
    %add3A_544 = vector.broadcast %broadcast_in_dim3A : vector<1024x1xf32> to vector<1024x128xf32>
    %add3A_545 = vector.broadcast %slice3A_543 : vector<1x128xf32> to vector<1024x128xf32>
    %add3A_546 = arith.addf %add3A_544, %add3A_545 : vector<1024x128xf32>
    %slice3A_547 = vector.extract_strided_slice %dot_general3A_7 {offsets = [0, 6272], sizes = [1024, 128], strides = [1, 1]} : vector<1024x8192xf32> to vector<1024x128xf32>
    %sub3A_548 = arith.subf %add3A_546, %slice3A_547 : vector<1024x128xf32>
    %lt3A_549 = arith.cmpf olt, %sub3A_548, %min3A_539 : vector<1024x128xf32>
    %min3A_550 = arith.minimumf %min3A_539, %sub3A_548 : vector<1024x128xf32>
    %jit3A_551 = arith.constant 49 : i32
    %broadcast_in_dim3A_552 = vector.broadcast %jit3A_551 : i32 to vector<1024x128xi32>
    %select_n3A_553 = arith.select %lt3A_549, %broadcast_in_dim3A_552, %select_n3A_542 : vector<1024x128xi1>, vector<1024x128xi32>
    %slice3A_554 = vector.extract_strided_slice %broadcast_in_dim3A_12 {offsets = [0, 6400], sizes = [1, 128], strides = [1, 1]} : vector<1x8192xf32> to vector<1x128xf32>
    %add3A_555 = vector.broadcast %broadcast_in_dim3A : vector<1024x1xf32> to vector<1024x128xf32>
    %add3A_556 = vector.broadcast %slice3A_554 : vector<1x128xf32> to vector<1024x128xf32>
    %add3A_557 = arith.addf %add3A_555, %add3A_556 : vector<1024x128xf32>
    %slice3A_558 = vector.extract_strided_slice %dot_general3A_7 {offsets = [0, 6400], sizes = [1024, 128], strides = [1, 1]} : vector<1024x8192xf32> to vector<1024x128xf32>
    %sub3A_559 = arith.subf %add3A_557, %slice3A_558 : vector<1024x128xf32>
    %lt3A_560 = arith.cmpf olt, %sub3A_559, %min3A_550 : vector<1024x128xf32>
    %min3A_561 = arith.minimumf %min3A_550, %sub3A_559 : vector<1024x128xf32>
    %jit3A_562 = arith.constant 50 : i32
    %broadcast_in_dim3A_563 = vector.broadcast %jit3A_562 : i32 to vector<1024x128xi32>
    %select_n3A_564 = arith.select %lt3A_560, %broadcast_in_dim3A_563, %select_n3A_553 : vector<1024x128xi1>, vector<1024x128xi32>
    %slice3A_565 = vector.extract_strided_slice %broadcast_in_dim3A_12 {offsets = [0, 6528], sizes = [1, 128], strides = [1, 1]} : vector<1x8192xf32> to vector<1x128xf32>
    %add3A_566 = vector.broadcast %broadcast_in_dim3A : vector<1024x1xf32> to vector<1024x128xf32>
    %add3A_567 = vector.broadcast %slice3A_565 : vector<1x128xf32> to vector<1024x128xf32>
    %add3A_568 = arith.addf %add3A_566, %add3A_567 : vector<1024x128xf32>
    %slice3A_569 = vector.extract_strided_slice %dot_general3A_7 {offsets = [0, 6528], sizes = [1024, 128], strides = [1, 1]} : vector<1024x8192xf32> to vector<1024x128xf32>
    %sub3A_570 = arith.subf %add3A_568, %slice3A_569 : vector<1024x128xf32>
    %lt3A_571 = arith.cmpf olt, %sub3A_570, %min3A_561 : vector<1024x128xf32>
    %min3A_572 = arith.minimumf %min3A_561, %sub3A_570 : vector<1024x128xf32>
    %jit3A_573 = arith.constant 51 : i32
    %broadcast_in_dim3A_574 = vector.broadcast %jit3A_573 : i32 to vector<1024x128xi32>
    %select_n3A_575 = arith.select %lt3A_571, %broadcast_in_dim3A_574, %select_n3A_564 : vector<1024x128xi1>, vector<1024x128xi32>
    %slice3A_576 = vector.extract_strided_slice %broadcast_in_dim3A_12 {offsets = [0, 6656], sizes = [1, 128], strides = [1, 1]} : vector<1x8192xf32> to vector<1x128xf32>
    %add3A_577 = vector.broadcast %broadcast_in_dim3A : vector<1024x1xf32> to vector<1024x128xf32>
    %add3A_578 = vector.broadcast %slice3A_576 : vector<1x128xf32> to vector<1024x128xf32>
    %add3A_579 = arith.addf %add3A_577, %add3A_578 : vector<1024x128xf32>
    %slice3A_580 = vector.extract_strided_slice %dot_general3A_7 {offsets = [0, 6656], sizes = [1024, 128], strides = [1, 1]} : vector<1024x8192xf32> to vector<1024x128xf32>
    %sub3A_581 = arith.subf %add3A_579, %slice3A_580 : vector<1024x128xf32>
    %lt3A_582 = arith.cmpf olt, %sub3A_581, %min3A_572 : vector<1024x128xf32>
    %min3A_583 = arith.minimumf %min3A_572, %sub3A_581 : vector<1024x128xf32>
    %jit3A_584 = arith.constant 52 : i32
    %broadcast_in_dim3A_585 = vector.broadcast %jit3A_584 : i32 to vector<1024x128xi32>
    %select_n3A_586 = arith.select %lt3A_582, %broadcast_in_dim3A_585, %select_n3A_575 : vector<1024x128xi1>, vector<1024x128xi32>
    %slice3A_587 = vector.extract_strided_slice %broadcast_in_dim3A_12 {offsets = [0, 6784], sizes = [1, 128], strides = [1, 1]} : vector<1x8192xf32> to vector<1x128xf32>
    %add3A_588 = vector.broadcast %broadcast_in_dim3A : vector<1024x1xf32> to vector<1024x128xf32>
    %add3A_589 = vector.broadcast %slice3A_587 : vector<1x128xf32> to vector<1024x128xf32>
    %add3A_590 = arith.addf %add3A_588, %add3A_589 : vector<1024x128xf32>
    %slice3A_591 = vector.extract_strided_slice %dot_general3A_7 {offsets = [0, 6784], sizes = [1024, 128], strides = [1, 1]} : vector<1024x8192xf32> to vector<1024x128xf32>
    %sub3A_592 = arith.subf %add3A_590, %slice3A_591 : vector<1024x128xf32>
    %lt3A_593 = arith.cmpf olt, %sub3A_592, %min3A_583 : vector<1024x128xf32>
    %min3A_594 = arith.minimumf %min3A_583, %sub3A_592 : vector<1024x128xf32>
    %jit3A_595 = arith.constant 53 : i32
    %broadcast_in_dim3A_596 = vector.broadcast %jit3A_595 : i32 to vector<1024x128xi32>
    %select_n3A_597 = arith.select %lt3A_593, %broadcast_in_dim3A_596, %select_n3A_586 : vector<1024x128xi1>, vector<1024x128xi32>
    %slice3A_598 = vector.extract_strided_slice %broadcast_in_dim3A_12 {offsets = [0, 6912], sizes = [1, 128], strides = [1, 1]} : vector<1x8192xf32> to vector<1x128xf32>
    %add3A_599 = vector.broadcast %broadcast_in_dim3A : vector<1024x1xf32> to vector<1024x128xf32>
    %add3A_600 = vector.broadcast %slice3A_598 : vector<1x128xf32> to vector<1024x128xf32>
    %add3A_601 = arith.addf %add3A_599, %add3A_600 : vector<1024x128xf32>
    %slice3A_602 = vector.extract_strided_slice %dot_general3A_7 {offsets = [0, 6912], sizes = [1024, 128], strides = [1, 1]} : vector<1024x8192xf32> to vector<1024x128xf32>
    %sub3A_603 = arith.subf %add3A_601, %slice3A_602 : vector<1024x128xf32>
    %lt3A_604 = arith.cmpf olt, %sub3A_603, %min3A_594 : vector<1024x128xf32>
    %min3A_605 = arith.minimumf %min3A_594, %sub3A_603 : vector<1024x128xf32>
    %jit3A_606 = arith.constant 54 : i32
    %broadcast_in_dim3A_607 = vector.broadcast %jit3A_606 : i32 to vector<1024x128xi32>
    %select_n3A_608 = arith.select %lt3A_604, %broadcast_in_dim3A_607, %select_n3A_597 : vector<1024x128xi1>, vector<1024x128xi32>
    %slice3A_609 = vector.extract_strided_slice %broadcast_in_dim3A_12 {offsets = [0, 7040], sizes = [1, 128], strides = [1, 1]} : vector<1x8192xf32> to vector<1x128xf32>
    %add3A_610 = vector.broadcast %broadcast_in_dim3A : vector<1024x1xf32> to vector<1024x128xf32>
    %add3A_611 = vector.broadcast %slice3A_609 : vector<1x128xf32> to vector<1024x128xf32>
    %add3A_612 = arith.addf %add3A_610, %add3A_611 : vector<1024x128xf32>
    %slice3A_613 = vector.extract_strided_slice %dot_general3A_7 {offsets = [0, 7040], sizes = [1024, 128], strides = [1, 1]} : vector<1024x8192xf32> to vector<1024x128xf32>
    %sub3A_614 = arith.subf %add3A_612, %slice3A_613 : vector<1024x128xf32>
    %lt3A_615 = arith.cmpf olt, %sub3A_614, %min3A_605 : vector<1024x128xf32>
    %min3A_616 = arith.minimumf %min3A_605, %sub3A_614 : vector<1024x128xf32>
    %jit3A_617 = arith.constant 55 : i32
    %broadcast_in_dim3A_618 = vector.broadcast %jit3A_617 : i32 to vector<1024x128xi32>
    %select_n3A_619 = arith.select %lt3A_615, %broadcast_in_dim3A_618, %select_n3A_608 : vector<1024x128xi1>, vector<1024x128xi32>
    %slice3A_620 = vector.extract_strided_slice %broadcast_in_dim3A_12 {offsets = [0, 7168], sizes = [1, 128], strides = [1, 1]} : vector<1x8192xf32> to vector<1x128xf32>
    %add3A_621 = vector.broadcast %broadcast_in_dim3A : vector<1024x1xf32> to vector<1024x128xf32>
    %add3A_622 = vector.broadcast %slice3A_620 : vector<1x128xf32> to vector<1024x128xf32>
    %add3A_623 = arith.addf %add3A_621, %add3A_622 : vector<1024x128xf32>
    %slice3A_624 = vector.extract_strided_slice %dot_general3A_7 {offsets = [0, 7168], sizes = [1024, 128], strides = [1, 1]} : vector<1024x8192xf32> to vector<1024x128xf32>
    %sub3A_625 = arith.subf %add3A_623, %slice3A_624 : vector<1024x128xf32>
    %lt3A_626 = arith.cmpf olt, %sub3A_625, %min3A_616 : vector<1024x128xf32>
    %min3A_627 = arith.minimumf %min3A_616, %sub3A_625 : vector<1024x128xf32>
    %jit3A_628 = arith.constant 56 : i32
    %broadcast_in_dim3A_629 = vector.broadcast %jit3A_628 : i32 to vector<1024x128xi32>
    %select_n3A_630 = arith.select %lt3A_626, %broadcast_in_dim3A_629, %select_n3A_619 : vector<1024x128xi1>, vector<1024x128xi32>
    %slice3A_631 = vector.extract_strided_slice %broadcast_in_dim3A_12 {offsets = [0, 7296], sizes = [1, 128], strides = [1, 1]} : vector<1x8192xf32> to vector<1x128xf32>
    %add3A_632 = vector.broadcast %broadcast_in_dim3A : vector<1024x1xf32> to vector<1024x128xf32>
    %add3A_633 = vector.broadcast %slice3A_631 : vector<1x128xf32> to vector<1024x128xf32>
    %add3A_634 = arith.addf %add3A_632, %add3A_633 : vector<1024x128xf32>
    %slice3A_635 = vector.extract_strided_slice %dot_general3A_7 {offsets = [0, 7296], sizes = [1024, 128], strides = [1, 1]} : vector<1024x8192xf32> to vector<1024x128xf32>
    %sub3A_636 = arith.subf %add3A_634, %slice3A_635 : vector<1024x128xf32>
    %lt3A_637 = arith.cmpf olt, %sub3A_636, %min3A_627 : vector<1024x128xf32>
    %min3A_638 = arith.minimumf %min3A_627, %sub3A_636 : vector<1024x128xf32>
    %jit3A_639 = arith.constant 57 : i32
    %broadcast_in_dim3A_640 = vector.broadcast %jit3A_639 : i32 to vector<1024x128xi32>
    %select_n3A_641 = arith.select %lt3A_637, %broadcast_in_dim3A_640, %select_n3A_630 : vector<1024x128xi1>, vector<1024x128xi32>
    %slice3A_642 = vector.extract_strided_slice %broadcast_in_dim3A_12 {offsets = [0, 7424], sizes = [1, 128], strides = [1, 1]} : vector<1x8192xf32> to vector<1x128xf32>
    %add3A_643 = vector.broadcast %broadcast_in_dim3A : vector<1024x1xf32> to vector<1024x128xf32>
    %add3A_644 = vector.broadcast %slice3A_642 : vector<1x128xf32> to vector<1024x128xf32>
    %add3A_645 = arith.addf %add3A_643, %add3A_644 : vector<1024x128xf32>
    %slice3A_646 = vector.extract_strided_slice %dot_general3A_7 {offsets = [0, 7424], sizes = [1024, 128], strides = [1, 1]} : vector<1024x8192xf32> to vector<1024x128xf32>
    %sub3A_647 = arith.subf %add3A_645, %slice3A_646 : vector<1024x128xf32>
    %lt3A_648 = arith.cmpf olt, %sub3A_647, %min3A_638 : vector<1024x128xf32>
    %min3A_649 = arith.minimumf %min3A_638, %sub3A_647 : vector<1024x128xf32>
    %jit3A_650 = arith.constant 58 : i32
    %broadcast_in_dim3A_651 = vector.broadcast %jit3A_650 : i32 to vector<1024x128xi32>
    %select_n3A_652 = arith.select %lt3A_648, %broadcast_in_dim3A_651, %select_n3A_641 : vector<1024x128xi1>, vector<1024x128xi32>
    %slice3A_653 = vector.extract_strided_slice %broadcast_in_dim3A_12 {offsets = [0, 7552], sizes = [1, 128], strides = [1, 1]} : vector<1x8192xf32> to vector<1x128xf32>
    %add3A_654 = vector.broadcast %broadcast_in_dim3A : vector<1024x1xf32> to vector<1024x128xf32>
    %add3A_655 = vector.broadcast %slice3A_653 : vector<1x128xf32> to vector<1024x128xf32>
    %add3A_656 = arith.addf %add3A_654, %add3A_655 : vector<1024x128xf32>
    %slice3A_657 = vector.extract_strided_slice %dot_general3A_7 {offsets = [0, 7552], sizes = [1024, 128], strides = [1, 1]} : vector<1024x8192xf32> to vector<1024x128xf32>
    %sub3A_658 = arith.subf %add3A_656, %slice3A_657 : vector<1024x128xf32>
    %lt3A_659 = arith.cmpf olt, %sub3A_658, %min3A_649 : vector<1024x128xf32>
    %min3A_660 = arith.minimumf %min3A_649, %sub3A_658 : vector<1024x128xf32>
    %jit3A_661 = arith.constant 59 : i32
    %broadcast_in_dim3A_662 = vector.broadcast %jit3A_661 : i32 to vector<1024x128xi32>
    %select_n3A_663 = arith.select %lt3A_659, %broadcast_in_dim3A_662, %select_n3A_652 : vector<1024x128xi1>, vector<1024x128xi32>
    %slice3A_664 = vector.extract_strided_slice %broadcast_in_dim3A_12 {offsets = [0, 7680], sizes = [1, 128], strides = [1, 1]} : vector<1x8192xf32> to vector<1x128xf32>
    %add3A_665 = vector.broadcast %broadcast_in_dim3A : vector<1024x1xf32> to vector<1024x128xf32>
    %add3A_666 = vector.broadcast %slice3A_664 : vector<1x128xf32> to vector<1024x128xf32>
    %add3A_667 = arith.addf %add3A_665, %add3A_666 : vector<1024x128xf32>
    %slice3A_668 = vector.extract_strided_slice %dot_general3A_7 {offsets = [0, 7680], sizes = [1024, 128], strides = [1, 1]} : vector<1024x8192xf32> to vector<1024x128xf32>
    %sub3A_669 = arith.subf %add3A_667, %slice3A_668 : vector<1024x128xf32>
    %lt3A_670 = arith.cmpf olt, %sub3A_669, %min3A_660 : vector<1024x128xf32>
    %min3A_671 = arith.minimumf %min3A_660, %sub3A_669 : vector<1024x128xf32>
    %jit3A_672 = arith.constant 60 : i32
    %broadcast_in_dim3A_673 = vector.broadcast %jit3A_672 : i32 to vector<1024x128xi32>
    %select_n3A_674 = arith.select %lt3A_670, %broadcast_in_dim3A_673, %select_n3A_663 : vector<1024x128xi1>, vector<1024x128xi32>
    %slice3A_675 = vector.extract_strided_slice %broadcast_in_dim3A_12 {offsets = [0, 7808], sizes = [1, 128], strides = [1, 1]} : vector<1x8192xf32> to vector<1x128xf32>
    %add3A_676 = vector.broadcast %broadcast_in_dim3A : vector<1024x1xf32> to vector<1024x128xf32>
    %add3A_677 = vector.broadcast %slice3A_675 : vector<1x128xf32> to vector<1024x128xf32>
    %add3A_678 = arith.addf %add3A_676, %add3A_677 : vector<1024x128xf32>
    %slice3A_679 = vector.extract_strided_slice %dot_general3A_7 {offsets = [0, 7808], sizes = [1024, 128], strides = [1, 1]} : vector<1024x8192xf32> to vector<1024x128xf32>
    %sub3A_680 = arith.subf %add3A_678, %slice3A_679 : vector<1024x128xf32>
    %lt3A_681 = arith.cmpf olt, %sub3A_680, %min3A_671 : vector<1024x128xf32>
    %min3A_682 = arith.minimumf %min3A_671, %sub3A_680 : vector<1024x128xf32>
    %jit3A_683 = arith.constant 61 : i32
    %broadcast_in_dim3A_684 = vector.broadcast %jit3A_683 : i32 to vector<1024x128xi32>
    %select_n3A_685 = arith.select %lt3A_681, %broadcast_in_dim3A_684, %select_n3A_674 : vector<1024x128xi1>, vector<1024x128xi32>
    %slice3A_686 = vector.extract_strided_slice %broadcast_in_dim3A_12 {offsets = [0, 7936], sizes = [1, 128], strides = [1, 1]} : vector<1x8192xf32> to vector<1x128xf32>
    %add3A_687 = vector.broadcast %broadcast_in_dim3A : vector<1024x1xf32> to vector<1024x128xf32>
    %add3A_688 = vector.broadcast %slice3A_686 : vector<1x128xf32> to vector<1024x128xf32>
    %add3A_689 = arith.addf %add3A_687, %add3A_688 : vector<1024x128xf32>
    %slice3A_690 = vector.extract_strided_slice %dot_general3A_7 {offsets = [0, 7936], sizes = [1024, 128], strides = [1, 1]} : vector<1024x8192xf32> to vector<1024x128xf32>
    %sub3A_691 = arith.subf %add3A_689, %slice3A_690 : vector<1024x128xf32>
    %lt3A_692 = arith.cmpf olt, %sub3A_691, %min3A_682 : vector<1024x128xf32>
    %min3A_693 = arith.minimumf %min3A_682, %sub3A_691 : vector<1024x128xf32>
    %jit3A_694 = arith.constant 62 : i32
    %broadcast_in_dim3A_695 = vector.broadcast %jit3A_694 : i32 to vector<1024x128xi32>
    %select_n3A_696 = arith.select %lt3A_692, %broadcast_in_dim3A_695, %select_n3A_685 : vector<1024x128xi1>, vector<1024x128xi32>
    %slice3A_697 = vector.extract_strided_slice %broadcast_in_dim3A_12 {offsets = [0, 8064], sizes = [1, 128], strides = [1, 1]} : vector<1x8192xf32> to vector<1x128xf32>
    %add3A_698 = vector.broadcast %broadcast_in_dim3A : vector<1024x1xf32> to vector<1024x128xf32>
    %add3A_699 = vector.broadcast %slice3A_697 : vector<1x128xf32> to vector<1024x128xf32>
    %add3A_700 = arith.addf %add3A_698, %add3A_699 : vector<1024x128xf32>
    %slice3A_701 = vector.extract_strided_slice %dot_general3A_7 {offsets = [0, 8064], sizes = [1024, 128], strides = [1, 1]} : vector<1024x8192xf32> to vector<1024x128xf32>
    %sub3A_702 = arith.subf %add3A_700, %slice3A_701 : vector<1024x128xf32>
    %lt3A_703 = arith.cmpf olt, %sub3A_702, %min3A_693 : vector<1024x128xf32>
    %min3A_704 = arith.minimumf %min3A_693, %sub3A_702 : vector<1024x128xf32>
    %jit3A_705 = arith.constant 63 : i32
    %broadcast_in_dim3A_706 = vector.broadcast %jit3A_705 : i32 to vector<1024x128xi32>
    %select_n3A_707 = arith.select %lt3A_703, %broadcast_in_dim3A_706, %select_n3A_696 : vector<1024x128xi1>, vector<1024x128xi32>
    %reduce_min3A = arith.constant dense<0x7F800000> : vector<1024xf32>
    %reduce_min3A_708 = vector.multi_reduction <minimumf>, %min3A_704, %reduce_min3A [1] : vector<1024x128xf32> to vector<1024xf32>
    %broadcast_in_dim3A_709 = vector.shape_cast %reduce_min3A_708 : vector<1024xf32> to vector<1024x1xf32>
    %iota3A = tpu.iota {dimensions = array<i32: 1>} : vector<1024x128xi32>
    %eq3A = vector.broadcast %broadcast_in_dim3A_709 : vector<1024x1xf32> to vector<1024x128xf32>
    %eq3A_710 = arith.cmpf oeq, %min3A_704, %eq3A : vector<1024x128xf32>
    %mul3A_711 = arith.constant 128 : i32
    %mul3A_712 = vector.broadcast %mul3A_711 : i32 to vector<1024x128xi32>
    %mul3A_713 = arith.muli %select_n3A_707, %mul3A_712 : vector<1024x128xi32>
    %add3A_714 = arith.addi %mul3A_713, %iota3A : vector<1024x128xi32>
    %jit3A_715 = arith.constant 8192 : i32
    %broadcast_in_dim3A_716 = vector.broadcast %jit3A_715 : i32 to vector<1024x128xi32>
    %select_n3A_717 = arith.select %eq3A_710, %add3A_714, %broadcast_in_dim3A_716 : vector<1024x128xi1>, vector<1024x128xi32>
    %reduce_min3A_718 = arith.constant dense<2147483647> : vector<1024xi32>
    %reduce_min3A_719 = vector.multi_reduction <minsi>, %select_n3A_717, %reduce_min3A_718 [1] : vector<1024x128xi32> to vector<1024xi32>
    %reshape3A = vector.shape_cast %reduce_min3A_719 : vector<1024xi32> to vector<2x4x128xi32>
    %swap3A = arith.constant 0 : index
    %swap3A_720 = arith.constant 0 : index
    %swap3A_721 = arith.constant 0 : index
    %swap3A_722 = vector.load %arg3[%swap3A, %swap3A_720, %swap3A_721] : memref<2x4x128xi32, #tpu.memory_space<vmem>>, vector<2x4x128xi32>
    tpu.vector_store %arg3[%swap3A, %swap3A_720, %swap3A_721], %reshape3A {strides = array<i32>} : memref<2x4x128xi32, #tpu.memory_space<vmem>>, vector<2x4x128xi32>,
    %eq3A_723 = arith.constant 0 : i32
    %eq3A_724 = arith.cmpi eq, %arg0, %eq3A_723 : i32
    %broadcast_in_dim3A_725 = arith.constant 0.000000e+00 : f32
    %broadcast_in_dim3A_726 = vector.broadcast %broadcast_in_dim3A_725 : f32 to vector<1x1xf32>
    %get3A_727 = arith.constant 0 : index
    %get3A_728 = arith.constant 0 : index
    %get3A_729 = vector.load %arg4[%get3A_727, %get3A_728] : memref<1x1xf32, #tpu.memory_space<vmem>>, vector<1x1xf32>
    %select_n3A_730 = arith.select %eq3A_724, %broadcast_in_dim3A_726, %get3A_729 : vector<1x1xf32>
    %reduce_sum3A_731 = vector.shape_cast %broadcast_in_dim3A_709 : vector<1024x1xf32> to vector<1x1024x1xf32>
    %reduce_sum3A_732 = arith.constant dense<0.000000e+00> : vector<1xf32>
    %reduce_sum3A_733 = vector.multi_reduction <add>, %reduce_sum3A_731, %reduce_sum3A_732 [1, 2] : vector<1x1024x1xf32> to vector<1xf32>
    %reduce_sum3A_734 = vector.shape_cast %reduce_sum3A_733 : vector<1xf32> to vector<1x1x1xf32>
    %reduce_sum3A_735 = vector.extract %reduce_sum3A_734[0, 0, 0] : f32 from vector<1x1x1xf32>
    %add3A_736 = vector.broadcast %reduce_sum3A_735 : f32 to vector<1x1xf32>
    %add3A_737 = arith.addf %select_n3A_730, %add3A_736 : vector<1x1xf32>
    %eq3A_738 = arith.constant 15 : i32
    %eq3A_739 = arith.cmpi eq, %arg0, %eq3A_738 : i32
    %mul3A_740 = arith.constant 2.38418579E-6 : f32
    %mul3A_741 = vector.broadcast %mul3A_740 : f32 to vector<1x1xf32>
    %mul3A_742 = arith.mulf %add3A_737, %mul3A_741 : vector<1x1xf32>
    %select_n3A_743 = arith.select %eq3A_739, %mul3A_742, %add3A_737 : vector<1x1xf32>
    %swap3A_744 = arith.constant 0 : index
    %swap3A_745 = arith.constant 0 : index
    %swap3A_746 = vector.load %arg4[%swap3A_744, %swap3A_745] : memref<1x1xf32, #tpu.memory_space<vmem>>, vector<1x1xf32>
    tpu.vector_store %arg4[%swap3A_744, %swap3A_745], %select_n3A_743 {strides = array<i32>} : memref<1x1xf32, #tpu.memory_space<vmem>>, vector<1x1xf32>,
    return
  }
  func.func @transform_0(%arg0: i32) -> (i32, i32, i32) {
    %jit3A = arith.constant 1 : i32
    %div3A = arith.divsi %arg0, %jit3A : i32
    %sign3A = arith.constant 0 : i32
    %sign3A_0 = arith.cmpi sgt, %arg0, %sign3A : i32
    %sign3A_1 = arith.extui %sign3A_0 : i1 to i32
    %sign3A_2 = arith.constant 0 : i32
    %sign3A_3 = arith.cmpi slt, %arg0, %sign3A_2 : i32
    %sign3A_4 = arith.extui %sign3A_3 : i1 to i32
    %sign3A_5 = arith.subi %sign3A_1, %sign3A_4 : i32
    %sign3A_6 = arith.constant 0 : i32
    %sign3A_7 = arith.cmpi sgt, %jit3A, %sign3A_6 : i32
    %sign3A_8 = arith.extui %sign3A_7 : i1 to i32
    %sign3A_9 = arith.constant 0 : i32
    %sign3A_10 = arith.cmpi slt, %jit3A, %sign3A_9 : i32
    %sign3A_11 = arith.extui %sign3A_10 : i1 to i32
    %sign3A_12 = arith.subi %sign3A_8, %sign3A_11 : i32
    %ne3A = arith.cmpi ne, %sign3A_5, %sign3A_12 : i32
    %rem3A = arith.remsi %arg0, %jit3A : i32
    %ne3A_13 = arith.constant 0 : i32
    %ne3A_14 = arith.cmpi ne, %rem3A, %ne3A_13 : i32
    %and3A = arith.andi %ne3A, %ne3A_14 : i1
    %sub3A = arith.constant 1 : i32
    %sub3A_15 = arith.subi %div3A, %sub3A : i32
    %select_n3A = arith.select %and3A, %sub3A_15, %div3A : i32
    %jit3A_16 = arith.constant 1 : i32
    %eq3A = arith.constant 0 : i32
    %eq3A_17 = arith.cmpi eq, %jit3A_16, %eq3A : i32
    %jit3A_18 = arith.constant 1 : i32
    %select_n3A_19 = arith.select %eq3A_17, %jit3A_18, %jit3A_16 : i32
    %rem3A_20 = arith.remsi %arg0, %select_n3A_19 : i32
    %ne3A_21 = arith.constant 0 : i32
    %ne3A_22 = arith.cmpi ne, %rem3A_20, %ne3A_21 : i32
    %lt3A = arith.constant 0 : i32
    %lt3A_23 = arith.cmpi slt, %rem3A_20, %lt3A : i32
    %lt3A_24 = arith.constant 0 : i32
    %lt3A_25 = arith.cmpi slt, %select_n3A_19, %lt3A_24 : i32
    %ne3A_26 = arith.xori %lt3A_23, %lt3A_25 : i1
    %and3A_27 = arith.andi %ne3A_26, %ne3A_22 : i1
    %add3A = arith.addi %rem3A_20, %select_n3A_19 : i32
    %select_n3A_28 = arith.select %and3A_27, %add3A, %rem3A_20 : i32
    %c0_i32 = arith.constant 0 : i32
    %c0_i32_29 = arith.constant 0 : i32
    return %select_n3A, %select_n3A_28, %c0_i32 : i32, i32, i32
  }
  func.func @transform_1(%arg0: i32) -> (i32, i32) {
    %c0_i32 = arith.constant 0 : i32
    %c0_i32_0 = arith.constant 0 : i32
    %c0_i32_1 = arith.constant 0 : i32
    return %c0_i32, %c0_i32_0 : i32, i32
  }
  func.func @transform_2(%arg0: i32) -> (i32, i32, i32) {
    %c0_i32 = arith.constant 0 : i32
    %c0_i32_0 = arith.constant 0 : i32
    %c0_i32_1 = arith.constant 0 : i32
    return %arg0, %c0_i32, %c0_i32_0 : i32, i32, i32
  }
  func.func @transform_3(%arg0: i32) -> (i32, i32) {
    %c0_i32 = arith.constant 0 : i32
    %c0_i32_0 = arith.constant 0 : i32
    %c0_i32_1 = arith.constant 0 : i32
    return %c0_i32, %c0_i32_0 : i32, i32
  }
}

</mosaic_0001>

<sc_bundles>
// kernel: kernel.5.cloned.1.call-start
scs
__scs_entry_jumppad:
0x0: {  	(pc) =	sbr.rel $0x88, $3  }
0x1: {  	(tag) =	ssettag $0x0;
	lr =	simm.s32 $0x1  }
0x2: {  	[smem:$0x3F9F] =	sst lr;
	_ =	strace $0xD0000000  }
0x3: {  	_ = 	snop  }
0x4: {  	_ = 	snop  }
0x5: {  	_ = 	snop  }
0x6: {  	_ = 	snop  }
0x7: {  	_ = 	snop  }
__scs_overlays_trampoline_lowered:
0x8: {  	[smem:$0x3FAE] =	sst s0  }
0x9: {  	[smem:$0x3FAF] =	sst s1  }
0xa: {  	[smem:$0x3FB0] =	sst s2  }
0xb: {  	[smem:$0x3FB1] =	sst s3  }
0xc: {  	[smem:$0x3FB2] =	sst s4  }
0xd: {  	[smem:$0x3FB3] =	sst s5  }
0xe: {  	[smem:$0x3FB4] =	sst s6  }
0xf: {  	[smem:$0x3FB5] =	sst s7  }
0x10: {  	[smem:$0x3FB6] =	sst s8  }
0x11: {  	[smem:$0x3FB7] =	sst s9;
	s0 =	simm.s32 @!p0 $0x0  }
0x12: {  	s1 =	sld [smem:$0x3F9D];
	s0 =	simm.s32 @p0 $0x1  }
0x13: {  	[smem:$0x3FB8] =	sst s0;
	s0 =	simm.s32 @!p1 $0x0  }
0x14: {  	s2 =	sld [smem:$0x3F9C];
	s0 =	simm.s32 @p1 $0x1  }
0x15: {  	[smem:$0x3FB9] =	sst s0;
	s0 =	simm.s32 @!p2 $0x0  }
0x16: {  	s3 =	sld [smem:$0x3FDB];
	s0 =	simm.s32 @p2 $0x1  }
0x17: {  	s4 =	simm.s32 $0x1BF5;
	[smem:$0x3FBB] =	sst s0  }
0x18: {  	s0 =	sld [smem:$0x3F9E];
	_ =	swait.ge [sflag:s4], $0x0  }
0x19: {  	s7 =	sld [smem:$0x3F9F]  }
0x1a: {  	s8 =	sadd.s32 $0xFFFFE003, lr  }
0x1b: {  	s9 =	sadd.s32 $0xFFFFFEF7, lr;
	s5 =	simm.s32 $0xFFFFFFFF;
	p2 =	slt.u32 s8, $0xFFFFF086  }
0x1c: {  	p1 =	slt.u32 s9, $0xF7A;
	s5 =	simm.s32 @!p2 $0x0  }
0x1d: {  	s5 =	simm.s32 @p1 $0x1;
	p0 =	seq.s32 s7, s2  }
0x1e: {  	s7 =	smul.u32 @!p0 $0xF7A, s2;
	p2 =	seq.s32 @!p0 s5, $0x0  }
0x1f: {  	s9 =	smul.u32 $0xF7A, s1;
	s8 =	simm.s32 @!p0 $0x1BF5;
	p2 =	por !p2, p0  }
0x20: {  	[sflag:s8] =	ssyncset.s32 @!p0 $0xFFFFF086;
	s6 =	sadd.s32 @!p0 s3, s7;
	s7 =	simm.s32 @!p0 $0x108  }
0x21: {  	s3 =	sadd.s32 s3, s9;
	s6 =	sadd.s32 @!p0 $0x88, s6;
	s7 =	simm.s32 @p2 $0x1082  }
0x22: {  	[simem:s7], [sflag:s8] =	dma.local @!p0 [hbm:s6], $0xF7A  }
0x23: {  	s9 =	sor.u32 $0xD0000000, s2;
	s6 =	simm.s32 $0x108;
	_ =	swait.ge @!p0 [sflag:s8], $0x0  }
0x24: {  	s3 =	sadd.s32 $0x88, s3;
	s6 =	simm.s32 @!p1 $0x1082;
	[sflag:s4] =	ssyncset.s32 $0xFFFFF086  }
0x25: {  	[simem:s6], [sflag:s4] =	dma.local [hbm:s3], $0xF7A  }
0x26: {  	[smem:$0x3F9F] =	sst s1;
	(tag) =	ssettag s2;
	_ =	strace s9  }
0x27: {  	s1 =	sld [smem:$0x3FAF]  }
0x28: {  	s2 =	sld [smem:$0x3FB0]  }
0x29: {  	s4 =	sld [smem:$0x3FB2]  }
0x2a: {  	p0 =	seq.s32 s5, $0x0;
	s5 =	sld [smem:$0x3FB3]  }
0x2b: {  	s6 =	sld [smem:$0x3FB4]  }
0x2c: {  	s7 =	sld [smem:$0x3FB5]  }
0x2d: {  	s3 =	simm.s32 $0x108;
	s8 =	sld [smem:$0x3FB6]  }
0x2e: {  	s3 =	simm.s32 @!p0 $0x1082;
	s9 =	sld [smem:$0x3FB7]  }
0x2f: {  	lr =	sadd.s32 s0, s3;
	s0 =	sld [smem:$0x3FAE]  }
0x30: {  	s3 =	sld [smem:$0x3FB1]  }
0x31: {  	[smem:$0x3FBA] =	sst s10  }
0x32: {  	s10 =	sld [smem:$0x3FB8];
	_ =	sdelay $0x3  }
0x33: {  	p0 =	seq.s32 s10, $0x1;
	s10 =	sld [smem:$0x3FBA];
	_ =	sdelay $0x3  }
0x34: {  	[smem:$0x3FBA] =	sst s10  }
0x35: {  	s10 =	sld [smem:$0x3FB9];
	_ =	sdelay $0x3  }
0x36: {  	p1 =	seq.s32 s10, $0x1;
	s10 =	sld [smem:$0x3FBA];
	_ =	sdelay $0x3  }
0x37: {  	[smem:$0x3FBA] =	sst s10  }
0x38: {  	s10 =	sld [smem:$0x3FBB]  }
0x39: {  	_ = 	snop;
	(pc) =	sbr.ind lr, $3  }
0x3a: {  	_ = 	snop  }
0x3b: {  	_ = 	snop  }
0x3c: {  	p2 =	seq.s32 s10, $0x1;
	s10 =	sld [smem:$0x3FBA]  }
0x3d: {  	_ =	shalt  }
0x3e: {  	_ =	shalt  }
0x3f: {  	_ =	shalt  }
0x40: {  	_ =	shalt  }
0x41: {  	_ =	shalt  }
0x42: {  	_ =	shalt  }
0x43: {  	_ =	shalt  }
0x44: {  	_ =	shalt  }
0x45: {  	_ =	shalt  }
0x46: {  	_ =	shalt  }
0x47: {  	_ =	shalt  }
0x48: {  	_ =	shalt  }
0x49: {  	_ =	shalt  }
0x4a: {  	_ =	shalt  }
0x4b: {  	_ =	shalt  }
0x4c: {  	_ =	shalt  }
0x4d: {  	_ =	shalt  }
0x4e: {  	_ =	shalt  }
0x4f: {  	_ =	shalt  }
0x50: {  	_ =	shalt  }
0x51: {  	_ =	shalt  }
0x52: {  	_ =	shalt  }
0x53: {  	_ =	shalt  }
0x54: {  	_ =	shalt  }
0x55: {  	_ =	shalt  }
0x56: {  	_ =	shalt  }
0x57: {  	_ =	shalt  }
0x58: {  	_ =	shalt  }
0x59: {  	_ =	shalt  }
0x5a: {  	_ =	shalt  }
0x5b: {  	_ =	shalt  }
0x5c: {  	_ =	shalt  }
0x5d: {  	_ =	shalt  }
0x5e: {  	_ =	shalt  }
0x5f: {  	_ =	shalt  }
0x60: {  	_ =	shalt  }
0x61: {  	_ =	shalt  }
0x62: {  	_ =	shalt  }
0x63: {  	_ =	shalt  }
0x64: {  	_ =	shalt  }
0x65: {  	_ =	shalt  }
0x66: {  	_ =	shalt  }
0x67: {  	_ =	shalt  }
0x68: {  	_ =	shalt  }
0x69: {  	_ =	shalt  }
0x6a: {  	_ =	shalt  }
0x6b: {  	_ =	shalt  }
0x6c: {  	_ =	shalt  }
0x6d: {  	_ =	shalt  }
0x6e: {  	_ =	shalt  }
0x6f: {  	_ =	shalt  }
0x70: {  	_ =	shalt  }
0x71: {  	_ =	shalt  }
0x72: {  	_ =	shalt  }
0x73: {  	_ =	shalt  }
0x74: {  	_ =	shalt  }
0x75: {  	_ =	shalt  }
0x76: {  	_ =	shalt  }
0x77: {  	_ =	shalt  }
0x78: {  	_ =	shalt  }
0x79: {  	_ =	shalt  }
0x7a: {  	_ =	shalt  }
0x7b: {  	_ =	shalt  }
0x7c: {  	_ =	shalt  }
0x7d: {  	_ =	shalt  }
0x7e: {  	_ =	shalt  }
0x7f: {  	_ =	shalt  }
0x80: {  	_ =	shalt  }
0x81: {  	_ =	shalt  }
0x82: {  	_ =	shalt  }
0x83: {  	_ =	shalt  }
0x84: {  	_ =	shalt  }
0x85: {  	_ =	shalt  }
0x86: {  	_ =	shalt  }
0x87: {  	_ =	shalt  }
.Lfunc_end0:
.L_simem_size_0:
called_computation_lowered:
.L_overlay_start_0:
0x88: {  	s2 =	sld [smem:$0x3FD9]  }
0x89: {  	s3 =	sld [smem:$0x3FFE];
	_ =	sdelay $0x1  }
0x8a: {  	s1 =	srdreg.scid  }
0x8b: {  	s0 =	sand.u32 $0x1, s1  }
0x8c: {  	s14 =	sshll.u32 s0, $0xA;
	s2 =	sadd.s32 s3, s2  }
0x8d: {  	s2 =	sadd.s32 s2, s14  }
0x8e: {  	[smem:$0x3FC6] =	sst s2  }
0x8f: {  	_ = 	snop  }
0x90: {  	s2 =	sld [smem:$0x3FD0];
	_ =	sdelay $0x2  }
0x91: {  	s15 =	simm.s32 $0xA;
	s4 =	simm.s32 $0x10  }
0x92: {  	[smem:s4], [sflag:s15] =	dma.local [hbm:s2], $0x1  }
0x93: {  	_ =	swait.eq [sflag:s15], $0x1  }
0x94: {  	[sflag:s15] =	ssyncset.done $0x0  }
0x95: {  	[sflag:s15] =	ssyncadd.s32 $0xFFFFFFFF  }
0x96: {  	s16 =	sld [smem:$0x10];
	(tm) =	ssettm $0x1  }
0x97: {  	s17 =	sld [smem:$0x3FFB];
	_ =	sdelay $0x3  }
0x98: {  	_ =	strace s17  }
0x99: {  	s3 =	sld [smem:$0x3FFC];
	_ =	sdelay $0x3  }
0x9a: {  	_ =	strace s3  }
0x9b: {  	s3 =	sld [smem:$0x3FFD];
	_ =	sdelay $0x3  }
0x9c: {  	_ =	strace s3  }
0x9d: {  	_ =	strace $0x8FFFFFFF  }
0x9e: {  	s18 =	sld [smem:$0x3FDB];
	_ =	sdelay $0x1  }
0x9f: {  	s19 =	simm.s32 $_scs_section_size  }
0xa0: {  	s5 =	simm.s32 $_size__tile_overlayer_lowered;
	s6 =	simm.s32 $_tile_overlayer_lowered  }
0xa1: {  	s22 =	simm.s32 $0x1BFF;
	s21 =	sshll.u32 s6, $0x1;
	s3 =	sadd.s32 s19, s18  }
0xa2: {  	s7 =	simm.s32 $0x0;
	s20 =	sshll.u32 s5, $0x1;
	s5 =	sadd.s32 s21, s3  }
0xa3: {  	[timem:s7], [sflag:s22] =	dma.local [hbm:s5], s20  }
0xa4: {  	_ =	swait.ge [sflag:s22], s20  }
0xa5: {  	s4 =	ssub.s32 $0x0, s20;
	[sflag:s22] =	ssyncset.done $0x0  }
0xa6: {  	[sflag:s22] =	ssyncadd.s32 s4;
	_ =	sdelay $0x1  }
0xa7: {  	s23 =	simm.s32 $0x1B8B  }
0xa8: {  	_ =	swait.ge [sflag:s23], $0x1  }
0xa9: {  	[sflag:s23] =	ssyncset.done $0x0  }
0xaa: {  	s25 =	simm.s32 $0x1B8E;
	s24 =	sld [smem:$0x3FFE];
	[sflag:s23] =	ssyncadd.s32 $0xFFFFFFFF  }
0xab: {  	s26 =	simm.s32 $execute0_lowered;
	[smem:$0x3FD2] =	sst s25  }
0xac: {  	s5 =	sshll.u32 s26, $0x1;
	_ =	strace $0x80000046;
	[dreg:$0x1] =	wrdreg $0xFFFFFFFF  }
0xad: {  	s28 =	simm.s32 $_size_execute0_lowered;
	s3 =	sadd.s32 s3, s5;
	[dreg:$0x0] =	wrdreg $0x0  }
0xae: {  	s5 =	sshll.u32 s28, $0x1;
	[dreg:$0x2] =	wrdreg s3  }
0xaf: {  	[dreg:$0x3] =	wrdreg s5  }
0xb0: {  	[dreg:$0x4] =	wrdreg $0xC0  }
0xb1: {  	_ =	task [dreg:s7], $0x5FFFF  }
0xb2: {  	[dreg:$0x1] =	wrdreg $0xFFFFFFFF  }
0xb3: {  	[dreg:$0x0] =	wrdreg $0x60  }
0xb4: {  	[dreg:$0x2] =	wrdreg s24  }
0xb5: {  	[dreg:$0x3] =	wrdreg s16  }
0xb6: {  	[dreg:$0x4] =	wrdreg $0x9  }
0xb7: {  	_ =	task.clear_ibuf [dreg:s7], $0x5FFFF;
	_ =	strace $0x90000046  }
0xb8: {  	s29 =	simm.s32 $0x9;
	_ =	strace $0x80000048  }
0xb9: {  	_ =	swait.ge [sflag:s29], $0x1  }
0xba: {  	[sflag:s29] =	ssyncadd.s32 $0xFFFFFFFF  }
0xbb: {  	_ =	strace $0x90000048  }
0xbc: {  	_ =	sfence  }
0xbd: {  	s30 =	sld [smem:$0x0];
	_ =	sdelay $0x2  }
0xbe: {  	s31 =	sshll.u32 s1, $0xD;
	s1 =	sshrl.u32 s1, $0x2  }
0xbf: {  	s3 =	sand.u32 $0x4000, s31;
	s1 =	sadd.s32 s1, s30  }
0xc0: {  	s0 =	sor.u32 s3, s0;
	s1 =	sshll.u32 s1, $0x11  }
0xc1: {  	s0 =	sor.u32 s1, s0  }
0xc2: {  	s0 =	sadd.s32 $0x8F2B, s0  }
0xc3: {  	[sflag:s0] =	ssyncadd.remote.s32 $0x1  }
0xc4: {  	_ =	sfence.sel $0xFFFF  }
0xc5: {  	[dreg:$0x0] =	wrdreg $0xFFFFFFFF;
	(pc) =	sbr.abs _section_cstart, $3  }
0xc6: {  	[dreg:$0x1] =	wrdreg $0xFFFFFFFF  }
0xc7: {  	_ =	task.clear_ibuf [dreg:s7], $0x2FFFF;
	_ =	strace $0x9FFFFFFF  }
0xc8: {  	(tm) =	ssettm $0x7FFFFFFF  }
0xc9: {  	_ =	shalt  }
tec
execute0_lowered:
.L_overlay_start_1:
0x0: {  	(tag) =	ssettag $0x1  }
0x1: {  	s1 =	srdreg.scid;
	s0 =	stileid.u32  }
0x2: {  	s5 =	rddreg [dreg:$0x0];
	s14 =	sand.u32 $0x1, s1;
	s29 =	sshll.u32 s0, $0x1  }
0x3: {  	s15 =	rddreg [dreg:$0x1];
	s16 =	sor.u32 s14, s29  }
0x4: {  	s2 =	simm.s32 $0x0;
	s1 =	rddreg [dreg:$0x2];
	s3 =	sshll.u32 s16, $0x6  }
0x5: {  	[smem:$0x7FF] =	sst s2;
	s3 =	sadd.s32 s3, s5  }
0x6: {  	_ =	strace $0x80000047;
	s4 =	sadd.s32 $0x8E00, s3;
	s3 =	simm.s32 $0x2  }
0x7: {  	[tilespmem:s2], [sflag:$0x2] =	stream.linear.gather [hbm4b:s4+s2], $0x200, $0x38;
	[tilespmem:$0x4200] =	vst v63  }
0x8: {  	_ =	swait.ge [sflag:s3], $0x200  }
0x9: {  	s6 =	simm.s32 $0x80;
	[sflag:s3] =	ssyncset.done $0x0  }
0xa: {  	s7 =	simm.s32 $0x200;
	s5 =	sadd.s32 $0xE00, s5;
	[sflag:s3] =	ssyncadd.s32 $0xFFFFFE00  }
0xb: {  	[tilespmem:s7], [sflag:$0x1] =	stream.indirect.gather [hbm4b:s5+s6], $0x20, s2, s6, $0xb8;
	[tilespmem:$0x4200] =	vst v63  }
0xc: {  	s8 =	simm.s32 $0x1200  }
0xd: {  	[tilespmem:s8], [sflag:$0x1] =	stream.indirect.gather [hbm4b:s5+s6], $0x20, s6, s6, $0xb8;
	[tilespmem:$0x4200] =	vst v63  }
0xe: {  	s9 =	simm.s32 $0x100;
	s10 =	simm.s32 $0x2200  }
0xf: {  	[tilespmem:s10], [sflag:$0x1] =	stream.indirect.gather [hbm4b:s5+s6], $0x20, s9, s6, $0xb8;
	[tilespmem:$0x4200] =	vst v63  }
0x10: {  	s11 =	simm.s32 $0x1;
	s12 =	simm.s32 $0x180;
	s13 =	simm.s32 $0x3200  }
0x11: {  	[tilespmem:s13], [sflag:$0x1] =	stream.indirect.gather [hbm4b:s5+s6], $0x20, s12, s6, $0xb8;
	[tilespmem:$0x4200] =	vst v63  }
0x12: {  	_ =	swait.ge [sflag:s11], $0x1000  }
0x13: {  	p1 =	seq.s32 s14, $0x1;
	p0 =	seq.s32 s16, $0x0;
	[sflag:s11] =	ssyncset.done $0x0  }
0x14: {  	p0 =	por !p0, !p1;
	[sflag:s11] =	ssyncadd.s32 $0xFFFFF000  }
0x15: {  	s16 =	simm.s32 $0x1;
	p0 =	por !p0, !p0;
	_ =	swait.ge [sflag:s11], $0x1000  }
0x16: {  	s17 =	ssub.s32 $0x2, s14;
	s16 =	simm.s32 @!p0 $0x0;
	[sflag:s11] =	ssyncset.done $0x0  }
0x17: {  	s14 =	sshll.u32 s14, $0xE;
	s16 =	ssub.s32 s0, s16;
	[sflag:s11] =	ssyncadd.s32 $0xFFFFF000  }
0x18: {  	s30 =	sshrl.u32 s17, $0x1;
	s16 =	sshll.u32 s16, $0xF;
	_ =	swait.ge [sflag:s11], $0x1000  }
0x19: {  	s14 =	sor.u32 s14, s16;
	s16 =	ssub.s32 s17, s30;
	[sflag:s11] =	ssyncset.done $0x0  }
0x1a: {  	s31 =	smax.u32 s16, $0x1;
	[sflag:s11] =	ssyncadd.s32 $0xFFFFF000  }
0x1b: {  	p0 =	sne.s32 s31, $0x1;
	_ =	swait.ge [sflag:s11], $0x1000  }
.Ltmp0:
0x1c: {  	s14 =	sshrl.u32 s14, $0x3;
	[sflag:s11] =	ssyncset.done $0x0;
	(pc) =	sbr.rel @!p0 .LBB2_2-.Ltmp0, $4  }
0x1d: {  	s14 =	sadd.s32 s15, s14;
	[sflag:s11] =	ssyncadd.s32 $0xFFFFF000  }
0x1e: {  	[hbm4b:s14+s2] =	stream.linear.scatter [tilespmem:s7], [sflag:$0x2], $0x4000, $0x38;
	[tilespmem:$0x4200] =	vst v63  }
0x1f: {  	_ =	swait.ge [sflag:s3], $0x4000  }
0x20: {  	s15 =	sadd.s32 $0xFFFFFFFF, s31;
	[sflag:s3] =	ssyncset.done $0x0  }
.LBB2_1:
0x21: {  	p0 =	sne.s32 s15, $0x1;
	s15 =	sadd.s32 $0xFFFFFFFF, s15;
	[sflag:s3] =	ssyncadd.s32 $0xFFFFC000  }
0x22: {  	[tilespmem:s2], [sflag:$0x2] =	stream.linear.gather [hbm4b:s4+s2], $0x200, $0x38;
	[tilespmem:$0x4200] =	vst v63  }
0x23: {  	_ =	swait.ge [sflag:s3], $0x200  }
0x24: {  	[sflag:s3] =	ssyncset.done $0x0  }
0x25: {  	[sflag:s3] =	ssyncadd.s32 $0xFFFFFE00  }
0x26: {  	[tilespmem:s7], [sflag:$0x1] =	stream.indirect.gather [hbm4b:s5+s6], $0x20, s2, s6, $0xb8;
	[tilespmem:$0x4200] =	vst v63  }
0x27: {  	_ = 	snop  }
0x28: {  	[tilespmem:s8], [sflag:$0x1] =	stream.indirect.gather [hbm4b:s5+s6], $0x20, s6, s6, $0xb8;
	[tilespmem:$0x4200] =	vst v63  }
0x29: {  	_ = 	snop  }
0x2a: {  	[tilespmem:s10], [sflag:$0x1] =	stream.indirect.gather [hbm4b:s5+s6], $0x20, s9, s6, $0xb8;
	[tilespmem:$0x4200] =	vst v63  }
0x2b: {  	_ = 	snop  }
0x2c: {  	[tilespmem:s13], [sflag:$0x1] =	stream.indirect.gather [hbm4b:s5+s6], $0x20, s12, s6, $0xb8;
	[tilespmem:$0x4200] =	vst v63  }
0x2d: {  	_ =	swait.ge [sflag:s11], $0x1000  }
0x2e: {  	[sflag:s11] =	ssyncset.done $0x0  }
0x2f: {  	[sflag:s11] =	ssyncadd.s32 $0xFFFFF000  }
0x30: {  	_ =	swait.ge [sflag:s11], $0x1000  }
0x31: {  	[sflag:s11] =	ssyncset.done $0x0  }
0x32: {  	[sflag:s11] =	ssyncadd.s32 $0xFFFFF000  }
0x33: {  	_ =	swait.ge [sflag:s11], $0x1000  }
0x34: {  	[sflag:s11] =	ssyncset.done $0x0  }
0x35: {  	[sflag:s11] =	ssyncadd.s32 $0xFFFFF000  }
0x36: {  	_ =	swait.ge [sflag:s11], $0x1000  }
.Ltmp1:
0x37: {  	[sflag:s11] =	ssyncset.done $0x0;
	(pc) =	sbr.rel @p0 .LBB2_1-.Ltmp1, $4  }
0x38: {  	[sflag:s11] =	ssyncadd.s32 $0xFFFFF000  }
0x39: {  	[hbm4b:s14+s2] =	stream.linear.scatter [tilespmem:s7], [sflag:$0x2], $0x4000, $0x38;
	[tilespmem:$0x4200] =	vst v63  }
0x3a: {  	_ =	swait.ge [sflag:s3], $0x4000  }
0x3b: {  	[sflag:s3] =	ssyncset.done $0x0  }
.LBB2_2:
0x3c: {  	[sflag:s3] =	ssyncadd.s32 $0xFFFFC000  }
0x3d: {  	_ =	sfence.sel $0x180000  }
0x3e: {  	[bflag:$0x0] =	sbarrier.arrive $0xFFFF  }
0x3f: {  	p0 =	sne.s32 s0, $0x0;
	_ =	strace $0x90000047  }
0x40: {  	s0 =	sadd.s32 @!p0 $0x100000, s1;
	[bflag:$0x2] =	sbarrier.arrive $0xFFFF  }
0x41: {  	[sflag:s0] =	ssyncadd.tile.s32 @!p0 $0x1;
	_ =	shalt  }
.Lfunc_end2:
_tile_overlayer_lowered:
.L_overlay_start_2:
0x42: {  	(tag) =	ssettag $0x2  }
0x43: {  	s0 =	rddreg [dreg:$0x0];
	s2 =	stileid.u32  }
0x44: {  	s1 =	rddreg [dreg:$0x1];
	p0 =	sne.s32 s2, $0x0  }
0x45: {  	s3 =	rddreg [dreg:$0x2];
	[bflag:$0x3] =	sbarrier.arrive $0xFFFF;
	s2 =	simm.s32 @!p0 $0x1C02  }
0x46: {  	[timem:s3], [sflag:s2] =	dma.local @!p0 [hbm:s0], s1  }
0x47: {  	s0 =	simm.s32 @!p0 $0x2  }
0x48: {  	_ =	swait.ge @!p0 [sflag:s0], s1  }
0x49: {  	s1 =	ssub.s32 @!p0 $0x0, s1;
	[sflag:s0] =	ssyncset.done @!p0 $0x0  }
0x4a: {  	[sflag:s0] =	ssyncadd.s32 @!p0 s1  }
0x4b: {  	[bflag:$0x3] =	sbarrier.arrive $0xFFFF  }
0x4c: {  	_ =	shalt  }

</sc_bundles>
